<compile_context>
chip_gen: v7x
topology: tpu7x:2x2x1
jax: 0.10.2.dev20260603
libtpu: 0.0.44.dev20260713+nightly
codegen_flags: <defaults>
</compile_context>

<pallas_src>
import functools
import math

import jax
import jax.numpy as jnp
from jax import lax
from jax.experimental import pallas as pl
from jax.experimental.pallas import tpu as pltpu
from jax.experimental.pallas import tpu_sc as plsc

_N = 10000
_E = 320000
_D_IN = 128
_HID = 128
_D_OUT = 64
_NE = 8
_COEF = 0.01
_NUM_LAYERS = 4

_NP = 10240
_ROWS_PER_TILE = _NP // 16
_BA = 1000
_GRID = _N // _BA
_EDGE_B = 128
_NW = 32
_K = 79
_EPAD = _NW * _K * _EDGE_B


def _prelude_body(x_ref, noise_ref, win_ref, bin_ref, wg_ref, wn_ref,
                  h_ref, logits_ref, gates_ref, imp_ref, load_ref):
    i = pl.program_id(0)
    x = x_ref[...]
    h = jnp.maximum(
        jnp.dot(x, win_ref[...], preferred_element_type=jnp.float32)
        + bin_ref[...], 0.0)
    h_ref[...] = h
    clean = jnp.dot(h, wg_ref[...], preferred_element_type=jnp.float32)
    noisy = jnp.dot(h, wn_ref[...], preferred_element_type=jnp.float32)
    sp = jnp.maximum(noisy, 0.0) + jnp.log1p(jnp.exp(-jnp.abs(noisy)))
    raw = clean + noise_ref[...] * (sp + 1e-2)
    logits_ref[...] = raw
    col = lax.broadcasted_iota(jnp.int32, raw.shape, 1)
    m1 = jnp.max(raw, axis=1, keepdims=True)
    i1 = jnp.min(jnp.where(raw == m1, col, _NE), axis=1, keepdims=True)
    masked = jnp.where(col == i1, -jnp.inf, raw)
    m2 = jnp.max(masked, axis=1, keepdims=True)
    i2 = jnp.min(jnp.where(masked == m2, col, _NE), axis=1, keepdims=True)
    e2 = jnp.exp(m2 - m1)
    denom = 1.0 + e2
    gates = (jnp.where(col == i1, 1.0 / denom, 0.0)
             + jnp.where(col == i2, e2 / denom, 0.0))
    gates_ref[...] = gates

    @pl.when(i == 0)
    def _():
        imp_ref[...] = jnp.zeros_like(imp_ref)
        load_ref[...] = jnp.zeros_like(load_ref)

    imp_ref[...] += jnp.sum(gates, axis=0, keepdims=True)
    load_ref[...] += jnp.sum(
        jnp.where(gates > 0.0, 1.0, 0.0), axis=0, keepdims=True)


def _prelude(x, noise, w_in, b_in2, w_gate, w_noise):
    return pl.pallas_call(
        _prelude_body,
        grid=(_GRID,),
        in_specs=[
            pl.BlockSpec((_BA, _D_IN), lambda i: (i, 0)),
            pl.BlockSpec((_BA, _NE), lambda i: (i, 0)),
            pl.BlockSpec((_D_IN, _HID), lambda i: (0, 0)),
            pl.BlockSpec((1, _HID), lambda i: (0, 0)),
            pl.BlockSpec((_HID, _NE), lambda i: (0, 0)),
            pl.BlockSpec((_HID, _NE), lambda i: (0, 0)),
        ],
        out_specs=[
            pl.BlockSpec((_BA, _HID), lambda i: (i, 0)),
            pl.BlockSpec((_BA, _NE), lambda i: (i, 0)),
            pl.BlockSpec((_BA, _NE), lambda i: (i, 0)),
            pl.BlockSpec((1, _NE), lambda i: (0, 0)),
            pl.BlockSpec((1, _NE), lambda i: (0, 0)),
        ],
        out_shape=[
            jax.ShapeDtypeStruct((_N, _HID), jnp.float32),
            jax.ShapeDtypeStruct((_N, _NE), jnp.float32),
            jax.ShapeDtypeStruct((_N, _NE), jnp.float32),
            jax.ShapeDtypeStruct((1, _NE), jnp.float32),
            jax.ShapeDtypeStruct((1, _NE), jnp.float32),
        ],
    )(x, noise, w_in, b_in2, w_gate, w_noise)


@functools.cache
def _make_sc_aggregate():
    mesh = plsc.VectorSubcoreMesh(core_axis_name="c", subcore_axis_name="s")

    @functools.partial(
        pl.kernel,
        mesh=mesh,
        out_type=[
            jax.ShapeDtypeStruct((2, _NP, _HID), jnp.float32),
            jax.ShapeDtypeStruct((2, _NP), jnp.float32),
        ],
        scratch_types=[
            pltpu.VMEM((_K, _EDGE_B), jnp.int32),
            pltpu.VMEM((_K, _EDGE_B), jnp.int32),
            pltpu.VMEM((_EDGE_B, _HID), jnp.float32),
            pltpu.VMEM((_EDGE_B,), jnp.float32),
            pltpu.VMEM((_ROWS_PER_TILE,), jnp.float32),
            pltpu.VMEM_SHARED((_NP, _HID), jnp.float32),
            pltpu.VMEM_SHARED((_NP,), jnp.float32),
            pltpu.SemaphoreType.DMA,
        ],
    )
    def sc_aggregate(src_hbm, dst_hbm, h_hbm, agg_out, deg_out,
                     src_v, dst_v, rows_a, ones_v, dz_v,
                     agg_sh, deg_sh, g_a):
        c = lax.axis_index("c")
        s = lax.axis_index("s")
        wid = c * 16 + s
        base = s * _ROWS_PER_TILE

        def _zrow(r, _):
            def _zlane(j, _):
                rows_a[r, pl.ds(j * 16, 16)] = jnp.zeros((16,), jnp.float32)
                return 0
            return lax.fori_loop(0, _HID // 16, _zlane, 0)
        lax.fori_loop(0, _EDGE_B, _zrow, 0)

        def _fill(j, _):
            ones_v[pl.ds(j * 16, 16)] = jnp.full((16,), 1.0, jnp.float32)
            return 0
        lax.fori_loop(0, _EDGE_B // 16, _fill, 0)

        def _fill2(j, _):
            dz_v[pl.ds(j * 16, 16)] = jnp.zeros((16,), jnp.float32)
            return 0
        lax.fori_loop(0, _ROWS_PER_TILE // 16, _fill2, 0)

        for t in range(_ROWS_PER_TILE // _EDGE_B):
            pltpu.sync_copy(rows_a, agg_sh.at[pl.ds(base + t * _EDGE_B,
                                                    _EDGE_B)])
        pltpu.sync_copy(dz_v, deg_sh.at[pl.ds(base, _ROWS_PER_TILE)])
        plsc.subcore_barrier()

        pltpu.sync_copy(src_hbm.at[wid], src_v)
        pltpu.sync_copy(dst_hbm.at[wid], dst_v)
        pltpu.async_copy(h_hbm.at[src_v.at[0]], rows_a, g_a)

        def _edge_row(j, _):
            pltpu.make_async_copy(h_hbm.at[src_v.at[j]], rows_a, g_a).wait()
            pltpu.sync_copy(rows_a, agg_sh.at[dst_v.at[j]], add=True)

            @pl.when(j < _K - 1)
            def _():
                pltpu.async_copy(h_hbm.at[src_v.at[j + 1]], rows_a, g_a)

            pltpu.sync_copy(ones_v, deg_sh.at[dst_v.at[j]], add=True)
            return 0
        lax.fori_loop(0, _K, _edge_row, 0)
        plsc.subcore_barrier()

        pltpu.sync_copy(agg_sh.at[pl.ds(base, _ROWS_PER_TILE)],
                        agg_out.at[c, pl.ds(base, _ROWS_PER_TILE)])
        pltpu.sync_copy(deg_sh.at[pl.ds(base, _ROWS_PER_TILE)],
                        deg_out.at[c, pl.ds(base, _ROWS_PER_TILE)])

    return sc_aggregate


def _expert_body(aggp_ref, degp_ref, gates_ref, we_ref, be_ref, wo_ref,
                 bo_ref, imp_ref, load_ref, out_ref, lb_ref):
    i = pl.program_id(0)
    agg = aggp_ref[0] + aggp_ref[1]
    deg = degp_ref[0] + degp_ref[1]
    agg = agg / jnp.maximum(deg, 1.0)
    acc = jnp.zeros((_BA, _HID), jnp.float32)
    g = gates_ref[...]
    for e in range(_NE):
        eo = jnp.maximum(
            jnp.dot(agg, we_ref[e], preferred_element_type=jnp.float32)
            + be_ref[...][e:e + 1, :], 0.0)
        acc += g[:, e:e + 1] * eo
    out_ref[...] = (jnp.dot(acc, wo_ref[...],
                            preferred_element_type=jnp.float32)
                    + bo_ref[...])

    @pl.when(i == 0)
    def _():
        def cv2(v):
            m = jnp.sum(v) / _NE
            var = jnp.sum((v - m) ** 2) / (_NE - 1)
            return var / (m * m + 1e-10)
        lb = _COEF * (cv2(imp_ref[...]) + cv2(load_ref[...]))
        lb = lb / math.ceil((_NUM_LAYERS - 2) / 2)
        lb_ref[...] = jnp.full((1, 1), lb, jnp.float32)


def _experts(aggp, degp_r, gates, w_expert, b_expert, w_out, b_out2,
             imp, load):
    return pl.pallas_call(
        _expert_body,
        grid=(_GRID,),
        in_specs=[
            pl.BlockSpec((2, _BA, _HID), lambda i: (0, i, 0)),
            pl.BlockSpec((2, _BA, 1), lambda i: (0, i, 0)),
            pl.BlockSpec((_BA, _NE), lambda i: (i, 0)),
            pl.BlockSpec((_NE, _HID, _HID), lambda i: (0, 0, 0)),
            pl.BlockSpec((_NE, _HID), lambda i: (0, 0)),
            pl.BlockSpec((_HID, _D_OUT), lambda i: (0, 0)),
            pl.BlockSpec((1, _D_OUT), lambda i: (0, 0)),
            pl.BlockSpec((1, _NE), lambda i: (0, 0)),
            pl.BlockSpec((1, _NE), lambda i: (0, 0)),
        ],
        out_specs=[
            pl.BlockSpec((_BA, _D_OUT), lambda i: (i, 0)),
            pl.BlockSpec((1, 1), lambda i: (0, 0)),
        ],
        out_shape=[
            jax.ShapeDtypeStruct((_N, _D_OUT), jnp.float32),
            jax.ShapeDtypeStruct((1, 1), jnp.float32),
        ],
    )(aggp, degp_r, gates, w_expert, b_expert, w_out, b_out2, imp, load)


def kernel(x, edge_index, noise, W_in, b_in, w_gate, w_noise, W_expert,
           b_expert, W_out, b_out):
    h, raw, gates, imp, load = _prelude(
        x, noise, W_in, b_in.reshape(1, _HID), w_gate, w_noise)

    src = edge_index[0]
    dst = edge_index[1]
    npad = _EPAD - _E
    src_p = jnp.concatenate(
        [src, jnp.zeros((npad,), jnp.int32)]).reshape(_NW, _K, _EDGE_B)
    pad_dst = _N + (jnp.arange(npad, dtype=jnp.int32) % (_NP - _N))
    dst_p = jnp.concatenate([dst, pad_dst]).reshape(_NW, _K, _EDGE_B)

    aggp, degp = _make_sc_aggregate()(src_p, dst_p, h)

    out, lb = _experts(aggp, degp.reshape(2, _NP, 1), gates, W_expert,
                       b_expert, W_out, b_out.reshape(1, _D_OUT),
                       imp, load)
    return out, lb.reshape(()), raw

# --- scband reference (transcript-rebuilt; emitter-appended) ---
"""Pipeline reference for scband-network-model-1623497638189 (READ-ONLY COPY).

The authoritative reference and input builder live on the scoring server;
editing this copy changes nothing except your own understanding.
"""

import math
import jax, jax.numpy as jnp
import numpy as np

N = 10000
E_EDGES = 320000
D_IN = 128
HID = 128
D_OUT = 64
N_EXPERTS = 8
TOP_K = 2
COEF = 0.01
NUM_LAYERS = 4


def setup_inputs(seed: int = 0) -> dict:
    key = jax.random.key(seed)
    ks = jax.random.split(key, 12)
    x = jax.random.normal(ks[0], (N, D_IN), dtype=jnp.float32)
    edge_index = jax.random.randint(ks[1], (2, E_EDGES), 0, N, dtype=jnp.int32)
    noise = jax.random.normal(ks[2], (N, N_EXPERTS), dtype=jnp.float32)
    W_in = jax.random.normal(ks[3], (D_IN, HID), dtype=jnp.float32) / np.sqrt(D_IN)
    b_in = jnp.zeros((HID,), dtype=jnp.float32)
    w_gate = jax.random.normal(ks[4], (HID, N_EXPERTS), dtype=jnp.float32) / np.sqrt(HID)
    w_noise = jax.random.normal(ks[5], (HID, N_EXPERTS), dtype=jnp.float32) / np.sqrt(HID)
    W_expert = jax.random.normal(ks[6], (N_EXPERTS, HID, HID), dtype=jnp.float32) / np.sqrt(HID)
    b_expert = jnp.zeros((N_EXPERTS, HID), dtype=jnp.float32)
    W_out = jax.random.normal(ks[7], (HID, D_OUT), dtype=jnp.float32) / np.sqrt(HID)
    b_out = jnp.zeros((D_OUT,), dtype=jnp.float32)
    return {"x": x, "edge_index": edge_index, "noise": noise, "W_in": W_in, "b_in": b_in,
            "w_gate": w_gate, "w_noise": w_noise, "W_expert": W_expert, "b_expert": b_expert,
            "W_out": W_out, "b_out": b_out}


def _cv_squared(v):
    eps = 1e-10
    if v.shape[0] == 1:
        return jnp.asarray(0.0, v.dtype)
    return jnp.var(v, ddof=1) / (jnp.mean(v) ** 2 + eps)


def reference(x, edge_index, noise, W_in, b_in, w_gate, w_noise, W_expert, b_expert, W_out, b_out):
    src = edge_index[0]
    dst = edge_index[1]
    # shared input transform
    h = jax.nn.relu(x @ W_in + b_in)
    # noisy top-k gating (GMoE noisy router)
    clean_logits = h @ w_gate
    noise_std = jax.nn.softplus(h @ w_noise) + 1e-2
    raw_logits = clean_logits + noise * noise_std
    top_v, top_i = jax.lax.top_k(raw_logits, TOP_K)
    top_g = jax.nn.softmax(top_v, axis=-1)
    gates = jnp.zeros((N, N_EXPERTS), dtype=h.dtype).at[jnp.arange(N)[:, None], top_i].add(top_g)
    # graph mean aggregation (SparseCore: gather + segment_sum)
    msg = jnp.take(h, src, axis=0)
    agg = jax.ops.segment_sum(msg, dst, num_segments=N)
    deg = jax.ops.segment_sum(jnp.ones((E_EDGES,), dtype=h.dtype), dst, num_segments=N)
    agg = agg / jnp.clip(deg, 1.0, None)[:, None]
    # dense evaluation of all experts, gated combine
    expert_out = jax.nn.relu(jnp.einsum('nd,edh->neh', agg, W_expert) + b_expert[None, :, :])
    y = jnp.einsum('ne,neh->nh', gates, expert_out)
    out = y @ W_out + b_out
    # load balance loss: cv^2 of importance and load
    importance = gates.sum(axis=0)
    load = (gates > 0).astype(h.dtype).sum(axis=0)
    lb = COEF * (_cv_squared(importance) + _cv_squared(load))
    lb = lb / math.ceil((NUM_LAYERS - 2) / 2)
    return out, lb, raw_logits

if __name__ == "__main__":
    import jax
    _d = setup_inputs()
    print(jax.jit(kernel)(*tuple(_d.values())))

</pallas_src>

<mosaic_0001>
#map = affine_map<(d0, d1) -> (0, 0, 0)>
#map1 = affine_map<(d0, d1) -> (0, 0)>
module attributes {stable_mosaic.version = 14 : i64} {
  func.func @sc_aggregate(%arg0: i32, %arg1: i32, %arg2: memref<32x79x128xi32, #tpu.memory_space<hbm>>, %arg3: memref<32x79x128xi32, #tpu.memory_space<hbm>>, %arg4: memref<10000x128xf32, #tpu.memory_space<hbm>>, %arg5: memref<2x10240x128xf32, #tpu.memory_space<hbm>>, %arg6: memref<2x10240xf32, #tpu.memory_space<hbm>>, %arg7: memref<79x128xi32, #tpu.memory_space<vmem>>, %arg8: memref<79x128xi32, #tpu.memory_space<vmem>>, %arg9: memref<128x128xf32, #tpu.memory_space<vmem>>, %arg10: memref<128xf32, #tpu.memory_space<vmem>>, %arg11: memref<640xf32, #tpu.memory_space<vmem>>, %arg12: memref<10240x128xf32, #tpu.memory_space<vmem_shared>>, %arg13: memref<10240xf32, #tpu.memory_space<vmem_shared>>, %arg14: memref<!tpu.dma_semaphore, #tpu.memory_space<semaphore_mem>>) attributes {dimension_semantics = [#tpu.dimension_semantics<core_parallel>, #tpu.dimension_semantics<subcore_parallel>], iteration_bounds = array<i64: 2, 16>, scalar_prefetch = 0 : i64, scratch_operands = 8 : i64, tpu.core_type = #tpu.core_type<sc_vector_subcore>, window_params = [{transform_indices = #map}, {transform_indices = #map}, {transform_indices = #map1}, {transform_indices = #map}, {transform_indices = #map1}]} {
    %mul3A = arith.constant 16 : i32
    %mul3A_0 = arith.muli %arg0, %mul3A : i32
    %add3A = arith.addi %mul3A_0, %arg1 : i32
    %mul3A_1 = arith.constant 640 : i32
    %mul3A_2 = arith.muli %arg1, %mul3A_1 : i32
    %scan3A = arith.constant 0 : i32
    %scan3A_3 = arith.constant 0 : i32
    %scan3A_4 = arith.constant 128 : i32
    %scan3A_5 = arith.addi %scan3A_3, %scan3A_4 : i32
    %scan3A_6 = arith.constant 1 : i32
    %scan3A_7 = scf.for %scan3A_47 = %scan3A_3 to %scan3A_5 step %scan3A_6 iter_args(%scan3A_48 = %scan3A) -> (i32)  : i32 {
      %scan3A_49 = arith.constant 0 : i32
      %scan3A_50 = arith.constant 0 : i32
      %scan3A_51 = arith.constant 8 : i32
      %scan3A_52 = arith.addi %scan3A_50, %scan3A_51 : i32
      %scan3A_53 = arith.constant 1 : i32
      %scan3A_54 = scf.for %scan3A_56 = %scan3A_50 to %scan3A_52 step %scan3A_53 iter_args(%scan3A_57 = %scan3A_49) -> (i32)  : i32 {
        %broadcast_in_dim3A = arith.constant 0.000000e+00 : f32
        %broadcast_in_dim3A_58 = vector.broadcast %broadcast_in_dim3A : f32 to vector<16xf32>
        %mul3A_59 = arith.constant 16 : i32
        %mul3A_60 = arith.muli %scan3A_56, %mul3A_59 : i32
        %swap3A = arith.index_cast %scan3A_47 : i32 to index
        %swap3A_61 = arith.index_cast %mul3A_60 : i32 to index
        %swap3A_62 = tpu.vector_load %arg9[%swap3A, %swap3A_61] {strides = array<i32>} : memref<128x128xf32, #tpu.memory_space<vmem>>, vector<1x16xf32>,
        %swap3A_63 = vector.shape_cast %swap3A_62 : vector<1x16xf32> to vector<16xf32>
        %swap3A_64 = vector.shape_cast %broadcast_in_dim3A_58 : vector<16xf32> to vector<1x16xf32>
        tpu.vector_store %arg9[%swap3A, %swap3A_61], %swap3A_64 {strides = array<i32>} : memref<128x128xf32, #tpu.memory_space<vmem>>, vector<1x16xf32>,
        %scan3A_65 = arith.constant 0 : i32
        scf.yield %scan3A_65 : i32
      }
      %scan3A_55 = arith.constant 8 : i32
      scf.yield %scan3A_54 : i32
    }
    %scan3A_8 = arith.constant 128 : i32
    %scan3A_9 = arith.constant 0 : i32
    %scan3A_10 = arith.constant 0 : i32
    %scan3A_11 = arith.constant 8 : i32
    %scan3A_12 = arith.addi %scan3A_10, %scan3A_11 : i32
    %scan3A_13 = arith.constant 1 : i32
    %scan3A_14 = scf.for %scan3A_47 = %scan3A_10 to %scan3A_12 step %scan3A_13 iter_args(%scan3A_48 = %scan3A_9) -> (i32)  : i32 {
      %broadcast_in_dim3A = arith.constant 1.000000e+00 : f32
      %broadcast_in_dim3A_49 = vector.broadcast %broadcast_in_dim3A : f32 to vector<16xf32>
      %mul3A_50 = arith.constant 16 : i32
      %mul3A_51 = arith.muli %scan3A_47, %mul3A_50 : i32
      %swap3A = arith.index_cast %mul3A_51 : i32 to index
      %swap3A_52 = tpu.vector_load %arg10[%swap3A] {strides = array<i32>} : memref<128xf32, #tpu.memory_space<vmem>>, vector<16xf32>,
      %swap3A_53 = vector.shape_cast %swap3A_52 : vector<16xf32> to vector<16xf32>
      %swap3A_54 = vector.shape_cast %broadcast_in_dim3A_49 : vector<16xf32> to vector<16xf32>
      tpu.vector_store %arg10[%swap3A], %swap3A_54 {strides = array<i32>} : memref<128xf32, #tpu.memory_space<vmem>>, vector<16xf32>,
      %scan3A_55 = arith.constant 0 : i32
      scf.yield %scan3A_55 : i32
    }
    %scan3A_15 = arith.constant 8 : i32
    %scan3A_16 = arith.constant 0 : i32
    %scan3A_17 = arith.constant 0 : i32
    %scan3A_18 = arith.constant 40 : i32
    %scan3A_19 = arith.addi %scan3A_17, %scan3A_18 : i32
    %scan3A_20 = arith.constant 1 : i32
    %scan3A_21 = scf.for %scan3A_47 = %scan3A_17 to %scan3A_19 step %scan3A_20 iter_args(%scan3A_48 = %scan3A_16) -> (i32)  : i32 {
      %broadcast_in_dim3A = arith.constant 0.000000e+00 : f32
      %broadcast_in_dim3A_49 = vector.broadcast %broadcast_in_dim3A : f32 to vector<16xf32>
      %mul3A_50 = arith.constant 16 : i32
      %mul3A_51 = arith.muli %scan3A_47, %mul3A_50 : i32
      %swap3A = arith.index_cast %mul3A_51 : i32 to index
      %swap3A_52 = tpu.vector_load %arg11[%swap3A] {strides = array<i32>} : memref<640xf32, #tpu.memory_space<vmem>>, vector<16xf32>,
      %swap3A_53 = vector.shape_cast %swap3A_52 : vector<16xf32> to vector<16xf32>
      %swap3A_54 = vector.shape_cast %broadcast_in_dim3A_49 : vector<16xf32> to vector<16xf32>
      tpu.vector_store %arg11[%swap3A], %swap3A_54 {strides = array<i32>} : memref<640xf32, #tpu.memory_space<vmem>>, vector<16xf32>,
      %scan3A_55 = arith.constant 0 : i32
      scf.yield %scan3A_55 : i32
    }
    %scan3A_22 = arith.constant 40 : i32
    %add3A_23 = arith.constant 0 : i32
    %add3A_24 = arith.addi %mul3A_2, %add3A_23 : i32
    "tpu.region"() ({
      %run_scoped3A = tpu.sem_alloc : memref<!tpu.dma_semaphore, #tpu.memory_space<semaphore_mem>>
      %dma_start3A_47 = arith.constant 0 : i32
      %dma_start3A_48 = tpu.memref_slice %arg12[%add3A_24, %dma_start3A_47] : memref<10240x128xf32, #tpu.memory_space<vmem_shared>> -> memref<128x128xf32, #tpu.memory_space<vmem_shared>>
      %dma_start3A_49 = arith.constant 0 : i32
      %dma_start3A_50 = tpu.memref_slice %arg12[%add3A_24, %dma_start3A_49] : memref<10240x128xf32, #tpu.memory_space<vmem_shared>> -> memref<128x128xf32, #tpu.memory_space<vmem_shared>>
      tpu.enqueue_dma source(%arg9 : memref<128x128xf32, #tpu.memory_space<vmem>>) target(%dma_start3A_50 : memref<128x128xf32, #tpu.memory_space<vmem_shared>>) target_semaphore(%run_scoped3A : memref<!tpu.dma_semaphore, #tpu.memory_space<semaphore_mem>>)
      %dma_wait3A = arith.constant 0 : i32
      %dma_wait3A_51 = tpu.memref_slice %arg12[%add3A_24, %dma_wait3A] : memref<10240x128xf32, #tpu.memory_space<vmem_shared>> -> memref<128x128xf32, #tpu.memory_space<vmem_shared>>
      %dma_wait3A_52 = arith.constant 0 : i32
      %dma_wait3A_53 = tpu.memref_slice %arg12[%add3A_24, %dma_wait3A_52] : memref<10240x128xf32, #tpu.memory_space<vmem_shared>> -> memref<128x128xf32, #tpu.memory_space<vmem_shared>>
      tpu.wait_dma2 semaphore(%run_scoped3A : memref<!tpu.dma_semaphore, #tpu.memory_space<semaphore_mem>>) src(%arg9 : memref<128x128xf32, #tpu.memory_space<vmem>>) dst(%dma_wait3A_53 : memref<128x128xf32, #tpu.memory_space<vmem_shared>>)
      tpu.yield
    }) : () -> ()
    %add3A_25 = arith.constant 128 : i32
    %add3A_26 = arith.addi %mul3A_2, %add3A_25 : i32
    "tpu.region"() ({
      %run_scoped3A = tpu.sem_alloc : memref<!tpu.dma_semaphore, #tpu.memory_space<semaphore_mem>>
      %dma_start3A_47 = arith.constant 0 : i32
      %dma_start3A_48 = tpu.memref_slice %arg12[%add3A_26, %dma_start3A_47] : memref<10240x128xf32, #tpu.memory_space<vmem_shared>> -> memref<128x128xf32, #tpu.memory_space<vmem_shared>>
      %dma_start3A_49 = arith.constant 0 : i32
      %dma_start3A_50 = tpu.memref_slice %arg12[%add3A_26, %dma_start3A_49] : memref<10240x128xf32, #tpu.memory_space<vmem_shared>> -> memref<128x128xf32, #tpu.memory_space<vmem_shared>>
      tpu.enqueue_dma source(%arg9 : memref<128x128xf32, #tpu.memory_space<vmem>>) target(%dma_start3A_50 : memref<128x128xf32, #tpu.memory_space<vmem_shared>>) target_semaphore(%run_scoped3A : memref<!tpu.dma_semaphore, #tpu.memory_space<semaphore_mem>>)
      %dma_wait3A = arith.constant 0 : i32
      %dma_wait3A_51 = tpu.memref_slice %arg12[%add3A_26, %dma_wait3A] : memref<10240x128xf32, #tpu.memory_space<vmem_shared>> -> memref<128x128xf32, #tpu.memory_space<vmem_shared>>
      %dma_wait3A_52 = arith.constant 0 : i32
      %dma_wait3A_53 = tpu.memref_slice %arg12[%add3A_26, %dma_wait3A_52] : memref<10240x128xf32, #tpu.memory_space<vmem_shared>> -> memref<128x128xf32, #tpu.memory_space<vmem_shared>>
      tpu.wait_dma2 semaphore(%run_scoped3A : memref<!tpu.dma_semaphore, #tpu.memory_space<semaphore_mem>>) src(%arg9 : memref<128x128xf32, #tpu.memory_space<vmem>>) dst(%dma_wait3A_53 : memref<128x128xf32, #tpu.memory_space<vmem_shared>>)
      tpu.yield
    }) : () -> ()
    %add3A_27 = arith.constant 256 : i32
    %add3A_28 = arith.addi %mul3A_2, %add3A_27 : i32
    "tpu.region"() ({
      %run_scoped3A = tpu.sem_alloc : memref<!tpu.dma_semaphore, #tpu.memory_space<semaphore_mem>>
      %dma_start3A_47 = arith.constant 0 : i32
      %dma_start3A_48 = tpu.memref_slice %arg12[%add3A_28, %dma_start3A_47] : memref<10240x128xf32, #tpu.memory_space<vmem_shared>> -> memref<128x128xf32, #tpu.memory_space<vmem_shared>>
      %dma_start3A_49 = arith.constant 0 : i32
      %dma_start3A_50 = tpu.memref_slice %arg12[%add3A_28, %dma_start3A_49] : memref<10240x128xf32, #tpu.memory_space<vmem_shared>> -> memref<128x128xf32, #tpu.memory_space<vmem_shared>>
      tpu.enqueue_dma source(%arg9 : memref<128x128xf32, #tpu.memory_space<vmem>>) target(%dma_start3A_50 : memref<128x128xf32, #tpu.memory_space<vmem_shared>>) target_semaphore(%run_scoped3A : memref<!tpu.dma_semaphore, #tpu.memory_space<semaphore_mem>>)
      %dma_wait3A = arith.constant 0 : i32
      %dma_wait3A_51 = tpu.memref_slice %arg12[%add3A_28, %dma_wait3A] : memref<10240x128xf32, #tpu.memory_space<vmem_shared>> -> memref<128x128xf32, #tpu.memory_space<vmem_shared>>
      %dma_wait3A_52 = arith.constant 0 : i32
      %dma_wait3A_53 = tpu.memref_slice %arg12[%add3A_28, %dma_wait3A_52] : memref<10240x128xf32, #tpu.memory_space<vmem_shared>> -> memref<128x128xf32, #tpu.memory_space<vmem_shared>>
      tpu.wait_dma2 semaphore(%run_scoped3A : memref<!tpu.dma_semaphore, #tpu.memory_space<semaphore_mem>>) src(%arg9 : memref<128x128xf32, #tpu.memory_space<vmem>>) dst(%dma_wait3A_53 : memref<128x128xf32, #tpu.memory_space<vmem_shared>>)
      tpu.yield
    }) : () -> ()
    %add3A_29 = arith.constant 384 : i32
    %add3A_30 = arith.addi %mul3A_2, %add3A_29 : i32
    "tpu.region"() ({
      %run_scoped3A = tpu.sem_alloc : memref<!tpu.dma_semaphore, #tpu.memory_space<semaphore_mem>>
      %dma_start3A_47 = arith.constant 0 : i32
      %dma_start3A_48 = tpu.memref_slice %arg12[%add3A_30, %dma_start3A_47] : memref<10240x128xf32, #tpu.memory_space<vmem_shared>> -> memref<128x128xf32, #tpu.memory_space<vmem_shared>>
      %dma_start3A_49 = arith.constant 0 : i32
      %dma_start3A_50 = tpu.memref_slice %arg12[%add3A_30, %dma_start3A_49] : memref<10240x128xf32, #tpu.memory_space<vmem_shared>> -> memref<128x128xf32, #tpu.memory_space<vmem_shared>>
      tpu.enqueue_dma source(%arg9 : memref<128x128xf32, #tpu.memory_space<vmem>>) target(%dma_start3A_50 : memref<128x128xf32, #tpu.memory_space<vmem_shared>>) target_semaphore(%run_scoped3A : memref<!tpu.dma_semaphore, #tpu.memory_space<semaphore_mem>>)
      %dma_wait3A = arith.constant 0 : i32
      %dma_wait3A_51 = tpu.memref_slice %arg12[%add3A_30, %dma_wait3A] : memref<10240x128xf32, #tpu.memory_space<vmem_shared>> -> memref<128x128xf32, #tpu.memory_space<vmem_shared>>
      %dma_wait3A_52 = arith.constant 0 : i32
      %dma_wait3A_53 = tpu.memref_slice %arg12[%add3A_30, %dma_wait3A_52] : memref<10240x128xf32, #tpu.memory_space<vmem_shared>> -> memref<128x128xf32, #tpu.memory_space<vmem_shared>>
      tpu.wait_dma2 semaphore(%run_scoped3A : memref<!tpu.dma_semaphore, #tpu.memory_space<semaphore_mem>>) src(%arg9 : memref<128x128xf32, #tpu.memory_space<vmem>>) dst(%dma_wait3A_53 : memref<128x128xf32, #tpu.memory_space<vmem_shared>>)
      tpu.yield
    }) : () -> ()
    %add3A_31 = arith.constant 512 : i32
    %add3A_32 = arith.addi %mul3A_2, %add3A_31 : i32
    "tpu.region"() ({
      %run_scoped3A = tpu.sem_alloc : memref<!tpu.dma_semaphore, #tpu.memory_space<semaphore_mem>>
      %dma_start3A_47 = arith.constant 0 : i32
      %dma_start3A_48 = tpu.memref_slice %arg12[%add3A_32, %dma_start3A_47] : memref<10240x128xf32, #tpu.memory_space<vmem_shared>> -> memref<128x128xf32, #tpu.memory_space<vmem_shared>>
      %dma_start3A_49 = arith.constant 0 : i32
      %dma_start3A_50 = tpu.memref_slice %arg12[%add3A_32, %dma_start3A_49] : memref<10240x128xf32, #tpu.memory_space<vmem_shared>> -> memref<128x128xf32, #tpu.memory_space<vmem_shared>>
      tpu.enqueue_dma source(%arg9 : memref<128x128xf32, #tpu.memory_space<vmem>>) target(%dma_start3A_50 : memref<128x128xf32, #tpu.memory_space<vmem_shared>>) target_semaphore(%run_scoped3A : memref<!tpu.dma_semaphore, #tpu.memory_space<semaphore_mem>>)
      %dma_wait3A = arith.constant 0 : i32
      %dma_wait3A_51 = tpu.memref_slice %arg12[%add3A_32, %dma_wait3A] : memref<10240x128xf32, #tpu.memory_space<vmem_shared>> -> memref<128x128xf32, #tpu.memory_space<vmem_shared>>
      %dma_wait3A_52 = arith.constant 0 : i32
      %dma_wait3A_53 = tpu.memref_slice %arg12[%add3A_32, %dma_wait3A_52] : memref<10240x128xf32, #tpu.memory_space<vmem_shared>> -> memref<128x128xf32, #tpu.memory_space<vmem_shared>>
      tpu.wait_dma2 semaphore(%run_scoped3A : memref<!tpu.dma_semaphore, #tpu.memory_space<semaphore_mem>>) src(%arg9 : memref<128x128xf32, #tpu.memory_space<vmem>>) dst(%dma_wait3A_53 : memref<128x128xf32, #tpu.memory_space<vmem_shared>>)
      tpu.yield
    }) : () -> ()
    "tpu.region"() ({
      %run_scoped3A = tpu.sem_alloc : memref<!tpu.dma_semaphore, #tpu.memory_space<semaphore_mem>>
      %dma_start3A_47 = tpu.memref_slice %arg13[%mul3A_2] : memref<10240xf32, #tpu.memory_space<vmem_shared>> -> memref<640xf32, #tpu.memory_space<vmem_shared>>
      %dma_start3A_48 = tpu.memref_slice %arg13[%mul3A_2] : memref<10240xf32, #tpu.memory_space<vmem_shared>> -> memref<640xf32, #tpu.memory_space<vmem_shared>>
      tpu.enqueue_dma source(%arg11 : memref<640xf32, #tpu.memory_space<vmem>>) target(%dma_start3A_48 : memref<640xf32, #tpu.memory_space<vmem_shared>>) target_semaphore(%run_scoped3A : memref<!tpu.dma_semaphore, #tpu.memory_space<semaphore_mem>>)
      %dma_wait3A = tpu.memref_slice %arg13[%mul3A_2] : memref<10240xf32, #tpu.memory_space<vmem_shared>> -> memref<640xf32, #tpu.memory_space<vmem_shared>>
      %dma_wait3A_49 = tpu.memref_slice %arg13[%mul3A_2] : memref<10240xf32, #tpu.memory_space<vmem_shared>> -> memref<640xf32, #tpu.memory_space<vmem_shared>>
      tpu.wait_dma2 semaphore(%run_scoped3A : memref<!tpu.dma_semaphore, #tpu.memory_space<semaphore_mem>>) src(%arg11 : memref<640xf32, #tpu.memory_space<vmem>>) dst(%dma_wait3A_49 : memref<640xf32, #tpu.memory_space<vmem_shared>>)
      tpu.yield
    }) : () -> ()
    %barrier3A = arith.constant 0 : index
    tpu.barrier barrier_id(%barrier3A)
    "tpu.region"() ({
      %run_scoped3A = tpu.sem_alloc : memref<!tpu.dma_semaphore, #tpu.memory_space<semaphore_mem>>
      %dma_start3A_47 = arith.constant 0 : i32
      %dma_start3A_48 = arith.constant 0 : i32
      %dma_start3A_49 = tpu.memref_slice %arg2[%add3A, %dma_start3A_47, %dma_start3A_48] : memref<32x79x128xi32, #tpu.memory_space<hbm>> -> memref<1x79x128xi32, #tpu.memory_space<hbm>>
      %dma_start3A_50 = tpu.memref_squeeze %dma_start3A_49 : memref<1x79x128xi32, #tpu.memory_space<hbm>> -> memref<79x128xi32, #tpu.memory_space<hbm>>
      %dma_start3A_51 = arith.constant 0 : i32
      %dma_start3A_52 = arith.constant 0 : i32
      %dma_start3A_53 = tpu.memref_slice %arg2[%add3A, %dma_start3A_51, %dma_start3A_52] : memref<32x79x128xi32, #tpu.memory_space<hbm>> -> memref<1x79x128xi32, #tpu.memory_space<hbm>>
      %dma_start3A_54 = tpu.memref_squeeze %dma_start3A_53 : memref<1x79x128xi32, #tpu.memory_space<hbm>> -> memref<79x128xi32, #tpu.memory_space<hbm>>
      tpu.enqueue_dma source(%dma_start3A_54 : memref<79x128xi32, #tpu.memory_space<hbm>>) target(%arg7 : memref<79x128xi32, #tpu.memory_space<vmem>>) target_semaphore(%run_scoped3A : memref<!tpu.dma_semaphore, #tpu.memory_space<semaphore_mem>>)
      %dma_wait3A = arith.constant 0 : i32
      %dma_wait3A_55 = arith.constant 0 : i32
      %dma_wait3A_56 = tpu.memref_slice %arg2[%add3A, %dma_wait3A, %dma_wait3A_55] : memref<32x79x128xi32, #tpu.memory_space<hbm>> -> memref<1x79x128xi32, #tpu.memory_space<hbm>>
      %dma_wait3A_57 = tpu.memref_squeeze %dma_wait3A_56 : memref<1x79x128xi32, #tpu.memory_space<hbm>> -> memref<79x128xi32, #tpu.memory_space<hbm>>
      %dma_wait3A_58 = arith.constant 0 : i32
      %dma_wait3A_59 = arith.constant 0 : i32
      %dma_wait3A_60 = tpu.memref_slice %arg2[%add3A, %dma_wait3A_58, %dma_wait3A_59] : memref<32x79x128xi32, #tpu.memory_space<hbm>> -> memref<1x79x128xi32, #tpu.memory_space<hbm>>
      %dma_wait3A_61 = tpu.memref_squeeze %dma_wait3A_60 : memref<1x79x128xi32, #tpu.memory_space<hbm>> -> memref<79x128xi32, #tpu.memory_space<hbm>>
      tpu.wait_dma2 semaphore(%run_scoped3A : memref<!tpu.dma_semaphore, #tpu.memory_space<semaphore_mem>>) src(%dma_wait3A_61 : memref<79x128xi32, #tpu.memory_space<hbm>>) dst(%arg7 : memref<79x128xi32, #tpu.memory_space<vmem>>)
      tpu.yield
    }) : () -> ()
    "tpu.region"() ({
      %run_scoped3A = tpu.sem_alloc : memref<!tpu.dma_semaphore, #tpu.memory_space<semaphore_mem>>
      %dma_start3A_47 = arith.constant 0 : i32
      %dma_start3A_48 = arith.constant 0 : i32
      %dma_start3A_49 = tpu.memref_slice %arg3[%add3A, %dma_start3A_47, %dma_start3A_48] : memref<32x79x128xi32, #tpu.memory_space<hbm>> -> memref<1x79x128xi32, #tpu.memory_space<hbm>>
      %dma_start3A_50 = tpu.memref_squeeze %dma_start3A_49 : memref<1x79x128xi32, #tpu.memory_space<hbm>> -> memref<79x128xi32, #tpu.memory_space<hbm>>
      %dma_start3A_51 = arith.constant 0 : i32
      %dma_start3A_52 = arith.constant 0 : i32
      %dma_start3A_53 = tpu.memref_slice %arg3[%add3A, %dma_start3A_51, %dma_start3A_52] : memref<32x79x128xi32, #tpu.memory_space<hbm>> -> memref<1x79x128xi32, #tpu.memory_space<hbm>>
      %dma_start3A_54 = tpu.memref_squeeze %dma_start3A_53 : memref<1x79x128xi32, #tpu.memory_space<hbm>> -> memref<79x128xi32, #tpu.memory_space<hbm>>
      tpu.enqueue_dma source(%dma_start3A_54 : memref<79x128xi32, #tpu.memory_space<hbm>>) target(%arg8 : memref<79x128xi32, #tpu.memory_space<vmem>>) target_semaphore(%run_scoped3A : memref<!tpu.dma_semaphore, #tpu.memory_space<semaphore_mem>>)
      %dma_wait3A = arith.constant 0 : i32
      %dma_wait3A_55 = arith.constant 0 : i32
      %dma_wait3A_56 = tpu.memref_slice %arg3[%add3A, %dma_wait3A, %dma_wait3A_55] : memref<32x79x128xi32, #tpu.memory_space<hbm>> -> memref<1x79x128xi32, #tpu.memory_space<hbm>>
      %dma_wait3A_57 = tpu.memref_squeeze %dma_wait3A_56 : memref<1x79x128xi32, #tpu.memory_space<hbm>> -> memref<79x128xi32, #tpu.memory_space<hbm>>
      %dma_wait3A_58 = arith.constant 0 : i32
      %dma_wait3A_59 = arith.constant 0 : i32
      %dma_wait3A_60 = tpu.memref_slice %arg3[%add3A, %dma_wait3A_58, %dma_wait3A_59] : memref<32x79x128xi32, #tpu.memory_space<hbm>> -> memref<1x79x128xi32, #tpu.memory_space<hbm>>
      %dma_wait3A_61 = tpu.memref_squeeze %dma_wait3A_60 : memref<1x79x128xi32, #tpu.memory_space<hbm>> -> memref<79x128xi32, #tpu.memory_space<hbm>>
      tpu.wait_dma2 semaphore(%run_scoped3A : memref<!tpu.dma_semaphore, #tpu.memory_space<semaphore_mem>>) src(%dma_wait3A_61 : memref<79x128xi32, #tpu.memory_space<hbm>>) dst(%arg8 : memref<79x128xi32, #tpu.memory_space<vmem>>)
      tpu.yield
    }) : () -> ()
    %dma_start3A = arith.constant 0 : i32
    %dma_start3A_33 = arith.constant 0 : i32
    %dma_start3A_34 = tpu.memref_slice %arg7[%dma_start3A, %dma_start3A_33] : memref<79x128xi32, #tpu.memory_space<vmem>> -> memref<1x128xi32, #tpu.memory_space<vmem>>
    %dma_start3A_35 = tpu.memref_squeeze %dma_start3A_34 : memref<1x128xi32, #tpu.memory_space<vmem>> -> memref<128xi32, #tpu.memory_space<vmem>>
    %dma_start3A_36 = arith.constant 0 : i32
    %dma_start3A_37 = arith.constant 0 : i32
    %dma_start3A_38 = tpu.memref_slice %arg4[%dma_start3A_36, %dma_start3A_37] : memref<10000x128xf32, #tpu.memory_space<hbm>> -> memref<10000x128xf32, #tpu.memory_space<hbm>>
    tpu.enqueue_indirect_dma source(%dma_start3A_38 : memref<10000x128xf32, #tpu.memory_space<hbm>>) target(%arg9 : memref<128x128xf32, #tpu.memory_space<vmem>>) offsets(%dma_start3A_35 : memref<128xi32, #tpu.memory_space<vmem>>) semaphore(%arg14 : memref<!tpu.dma_semaphore, #tpu.memory_space<semaphore_mem>>)
    %scan3A_39 = arith.constant 0 : i32
    %scan3A_40 = arith.constant 0 : i32
    %scan3A_41 = arith.constant 79 : i32
    %scan3A_42 = arith.addi %scan3A_40, %scan3A_41 : i32
    %scan3A_43 = arith.constant 1 : i32
    %scan3A_44 = scf.for %scan3A_47 = %scan3A_40 to %scan3A_42 step %scan3A_43 iter_args(%scan3A_48 = %scan3A_39) -> (i32)  : i32 {
      %dma_wait3A = arith.constant 0 : i32
      %dma_wait3A_49 = tpu.memref_slice %arg7[%scan3A_47, %dma_wait3A] : memref<79x128xi32, #tpu.memory_space<vmem>> -> memref<1x128xi32, #tpu.memory_space<vmem>>
      %dma_wait3A_50 = tpu.memref_squeeze %dma_wait3A_49 : memref<1x128xi32, #tpu.memory_space<vmem>> -> memref<128xi32, #tpu.memory_space<vmem>>
      %dma_wait3A_51 = arith.constant 0 : i32
      %dma_wait3A_52 = arith.constant 0 : i32
      %dma_wait3A_53 = tpu.memref_slice %arg4[%dma_wait3A_51, %dma_wait3A_52] : memref<10000x128xf32, #tpu.memory_space<hbm>> -> memref<10000x128xf32, #tpu.memory_space<hbm>>
      tpu.wait_indirect_dma semaphore(%arg14 : memref<!tpu.dma_semaphore, #tpu.memory_space<semaphore_mem>>) src(%dma_wait3A_53 : memref<10000x128xf32, #tpu.memory_space<hbm>>) dst(%arg9 : memref<128x128xf32, #tpu.memory_space<vmem>>)
      "tpu.region"() ({
        %run_scoped3A = tpu.sem_alloc : memref<!tpu.dma_semaphore, #tpu.memory_space<semaphore_mem>>
        %dma_start3A_57 = arith.constant 0 : i32
        %dma_start3A_58 = tpu.memref_slice %arg8[%scan3A_47, %dma_start3A_57] : memref<79x128xi32, #tpu.memory_space<vmem>> -> memref<1x128xi32, #tpu.memory_space<vmem>>
        %dma_start3A_59 = tpu.memref_squeeze %dma_start3A_58 : memref<1x128xi32, #tpu.memory_space<vmem>> -> memref<128xi32, #tpu.memory_space<vmem>>
        %dma_start3A_60 = arith.constant 0 : i32
        %dma_start3A_61 = arith.constant 0 : i32
        %dma_start3A_62 = tpu.memref_slice %arg12[%dma_start3A_60, %dma_start3A_61] : memref<10240x128xf32, #tpu.memory_space<vmem_shared>> -> memref<10240x128xf32, #tpu.memory_space<vmem_shared>>
        tpu.enqueue_indirect_dma source(%arg9 : memref<128x128xf32, #tpu.memory_space<vmem>>) target(%dma_start3A_62 : memref<10240x128xf32, #tpu.memory_space<vmem_shared>>) offsets(%dma_start3A_59 : memref<128xi32, #tpu.memory_space<vmem>>) semaphore(%run_scoped3A : memref<!tpu.dma_semaphore, #tpu.memory_space<semaphore_mem>>) {add = true}
        %dma_wait3A_63 = arith.constant 0 : i32
        %dma_wait3A_64 = tpu.memref_slice %arg8[%scan3A_47, %dma_wait3A_63] : memref<79x128xi32, #tpu.memory_space<vmem>> -> memref<1x128xi32, #tpu.memory_space<vmem>>
        %dma_wait3A_65 = tpu.memref_squeeze %dma_wait3A_64 : memref<1x128xi32, #tpu.memory_space<vmem>> -> memref<128xi32, #tpu.memory_space<vmem>>
        %dma_wait3A_66 = arith.constant 0 : i32
        %dma_wait3A_67 = arith.constant 0 : i32
        %dma_wait3A_68 = tpu.memref_slice %arg12[%dma_wait3A_66, %dma_wait3A_67] : memref<10240x128xf32, #tpu.memory_space<vmem_shared>> -> memref<10240x128xf32, #tpu.memory_space<vmem_shared>>
        tpu.wait_indirect_dma semaphore(%run_scoped3A : memref<!tpu.dma_semaphore, #tpu.memory_space<semaphore_mem>>) src(%arg9 : memref<128x128xf32, #tpu.memory_space<vmem>>) dst(%dma_wait3A_68 : memref<10240x128xf32, #tpu.memory_space<vmem_shared>>)
        tpu.yield
      }) : () -> ()
      %lt3A = arith.constant 78 : i32
      %lt3A_54 = arith.cmpi slt, %scan3A_47, %lt3A : i32
      %convert_element_type3A = arith.extui %lt3A_54 : i1 to i32
      %cond3A = arith.constant 0 : i32
      %cond3A_55 = arith.cmpi ne, %convert_element_type3A, %cond3A : i32
      scf.if %cond3A_55 {
        %add3A_57 = arith.constant 1 : i32
        %add3A_58 = arith.addi %scan3A_47, %add3A_57 : i32
        %dma_start3A_59 = arith.constant 0 : i32
        %dma_start3A_60 = tpu.memref_slice %arg7[%add3A_58, %dma_start3A_59] : memref<79x128xi32, #tpu.memory_space<vmem>> -> memref<1x128xi32, #tpu.memory_space<vmem>>
        %dma_start3A_61 = tpu.memref_squeeze %dma_start3A_60 : memref<1x128xi32, #tpu.memory_space<vmem>> -> memref<128xi32, #tpu.memory_space<vmem>>
        %dma_start3A_62 = arith.constant 0 : i32
        %dma_start3A_63 = arith.constant 0 : i32
        %dma_start3A_64 = tpu.memref_slice %arg4[%dma_start3A_62, %dma_start3A_63] : memref<10000x128xf32, #tpu.memory_space<hbm>> -> memref<10000x128xf32, #tpu.memory_space<hbm>>
        tpu.enqueue_indirect_dma source(%dma_start3A_64 : memref<10000x128xf32, #tpu.memory_space<hbm>>) target(%arg9 : memref<128x128xf32, #tpu.memory_space<vmem>>) offsets(%dma_start3A_61 : memref<128xi32, #tpu.memory_space<vmem>>) semaphore(%arg14 : memref<!tpu.dma_semaphore, #tpu.memory_space<semaphore_mem>>)
      } else {
      }
      "tpu.region"() ({
        %run_scoped3A = tpu.sem_alloc : memref<!tpu.dma_semaphore, #tpu.memory_space<semaphore_mem>>
        %dma_start3A_57 = arith.constant 0 : i32
        %dma_start3A_58 = tpu.memref_slice %arg8[%scan3A_47, %dma_start3A_57] : memref<79x128xi32, #tpu.memory_space<vmem>> -> memref<1x128xi32, #tpu.memory_space<vmem>>
        %dma_start3A_59 = tpu.memref_squeeze %dma_start3A_58 : memref<1x128xi32, #tpu.memory_space<vmem>> -> memref<128xi32, #tpu.memory_space<vmem>>
        %dma_start3A_60 = arith.constant 0 : i32
        %dma_start3A_61 = tpu.memref_slice %arg13[%dma_start3A_60] : memref<10240xf32, #tpu.memory_space<vmem_shared>> -> memref<10240xf32, #tpu.memory_space<vmem_shared>>
        tpu.enqueue_indirect_dma source(%arg10 : memref<128xf32, #tpu.memory_space<vmem>>) target(%dma_start3A_61 : memref<10240xf32, #tpu.memory_space<vmem_shared>>) offsets(%dma_start3A_59 : memref<128xi32, #tpu.memory_space<vmem>>) semaphore(%run_scoped3A : memref<!tpu.dma_semaphore, #tpu.memory_space<semaphore_mem>>) {add = true}
        %dma_wait3A_62 = arith.constant 0 : i32
        %dma_wait3A_63 = tpu.memref_slice %arg8[%scan3A_47, %dma_wait3A_62] : memref<79x128xi32, #tpu.memory_space<vmem>> -> memref<1x128xi32, #tpu.memory_space<vmem>>
        %dma_wait3A_64 = tpu.memref_squeeze %dma_wait3A_63 : memref<1x128xi32, #tpu.memory_space<vmem>> -> memref<128xi32, #tpu.memory_space<vmem>>
        %dma_wait3A_65 = arith.constant 0 : i32
        %dma_wait3A_66 = tpu.memref_slice %arg13[%dma_wait3A_65] : memref<10240xf32, #tpu.memory_space<vmem_shared>> -> memref<10240xf32, #tpu.memory_space<vmem_shared>>
        tpu.wait_indirect_dma semaphore(%run_scoped3A : memref<!tpu.dma_semaphore, #tpu.memory_space<semaphore_mem>>) src(%arg10 : memref<128xf32, #tpu.memory_space<vmem>>) dst(%dma_wait3A_66 : memref<10240xf32, #tpu.memory_space<vmem_shared>>)
        tpu.yield
      }) : () -> ()
      %scan3A_56 = arith.constant 0 : i32
      scf.yield %scan3A_56 : i32
    }
    %scan3A_45 = arith.constant 79 : i32
    %barrier3A_46 = arith.constant 0 : index
    tpu.barrier barrier_id(%barrier3A_46)
    "tpu.region"() ({
      %run_scoped3A = tpu.sem_alloc : memref<!tpu.dma_semaphore, #tpu.memory_space<semaphore_mem>>
      %dma_start3A_47 = arith.constant 0 : i32
      %dma_start3A_48 = tpu.memref_slice %arg5[%arg0, %mul3A_2, %dma_start3A_47] : memref<2x10240x128xf32, #tpu.memory_space<hbm>> -> memref<1x640x128xf32, #tpu.memory_space<hbm>>
      %dma_start3A_49 = tpu.memref_squeeze %dma_start3A_48 : memref<1x640x128xf32, #tpu.memory_space<hbm>> -> memref<640x128xf32, #tpu.memory_space<hbm>>
      %dma_start3A_50 = arith.constant 0 : i32
      %dma_start3A_51 = tpu.memref_slice %arg12[%mul3A_2, %dma_start3A_50] : memref<10240x128xf32, #tpu.memory_space<vmem_shared>> -> memref<640x128xf32, #tpu.memory_space<vmem_shared>>
      tpu.enqueue_dma source(%dma_start3A_51 : memref<640x128xf32, #tpu.memory_space<vmem_shared>>) target(%dma_start3A_49 : memref<640x128xf32, #tpu.memory_space<hbm>>) target_semaphore(%run_scoped3A : memref<!tpu.dma_semaphore, #tpu.memory_space<semaphore_mem>>)
      %dma_wait3A = arith.constant 0 : i32
      %dma_wait3A_52 = tpu.memref_slice %arg5[%arg0, %mul3A_2, %dma_wait3A] : memref<2x10240x128xf32, #tpu.memory_space<hbm>> -> memref<1x640x128xf32, #tpu.memory_space<hbm>>
      %dma_wait3A_53 = tpu.memref_squeeze %dma_wait3A_52 : memref<1x640x128xf32, #tpu.memory_space<hbm>> -> memref<640x128xf32, #tpu.memory_space<hbm>>
      %dma_wait3A_54 = arith.constant 0 : i32
      %dma_wait3A_55 = tpu.memref_slice %arg12[%mul3A_2, %dma_wait3A_54] : memref<10240x128xf32, #tpu.memory_space<vmem_shared>> -> memref<640x128xf32, #tpu.memory_space<vmem_shared>>
      tpu.wait_dma2 semaphore(%run_scoped3A : memref<!tpu.dma_semaphore, #tpu.memory_space<semaphore_mem>>) src(%dma_wait3A_55 : memref<640x128xf32, #tpu.memory_space<vmem_shared>>) dst(%dma_wait3A_53 : memref<640x128xf32, #tpu.memory_space<hbm>>)
      tpu.yield
    }) : () -> ()
    "tpu.region"() ({
      %run_scoped3A = tpu.sem_alloc : memref<!tpu.dma_semaphore, #tpu.memory_space<semaphore_mem>>
      %dma_start3A_47 = tpu.memref_slice %arg6[%arg0, %mul3A_2] : memref<2x10240xf32, #tpu.memory_space<hbm>> -> memref<1x640xf32, #tpu.memory_space<hbm>>
      %dma_start3A_48 = tpu.memref_squeeze %dma_start3A_47 : memref<1x640xf32, #tpu.memory_space<hbm>> -> memref<640xf32, #tpu.memory_space<hbm>>
      %dma_start3A_49 = tpu.memref_slice %arg13[%mul3A_2] : memref<10240xf32, #tpu.memory_space<vmem_shared>> -> memref<640xf32, #tpu.memory_space<vmem_shared>>
      tpu.enqueue_dma source(%dma_start3A_49 : memref<640xf32, #tpu.memory_space<vmem_shared>>) target(%dma_start3A_48 : memref<640xf32, #tpu.memory_space<hbm>>) target_semaphore(%run_scoped3A : memref<!tpu.dma_semaphore, #tpu.memory_space<semaphore_mem>>)
      %dma_wait3A = tpu.memref_slice %arg6[%arg0, %mul3A_2] : memref<2x10240xf32, #tpu.memory_space<hbm>> -> memref<1x640xf32, #tpu.memory_space<hbm>>
      %dma_wait3A_50 = tpu.memref_squeeze %dma_wait3A : memref<1x640xf32, #tpu.memory_space<hbm>> -> memref<640xf32, #tpu.memory_space<hbm>>
      %dma_wait3A_51 = tpu.memref_slice %arg13[%mul3A_2] : memref<10240xf32, #tpu.memory_space<vmem_shared>> -> memref<640xf32, #tpu.memory_space<vmem_shared>>
      tpu.wait_dma2 semaphore(%run_scoped3A : memref<!tpu.dma_semaphore, #tpu.memory_space<semaphore_mem>>) src(%dma_wait3A_51 : memref<640xf32, #tpu.memory_space<vmem_shared>>) dst(%dma_wait3A_50 : memref<640xf32, #tpu.memory_space<hbm>>)
      tpu.yield
    }) : () -> ()
    return
  }
}

module attributes {stable_mosaic.version = 14 : i64} {
  func.func @_prelude_body(%arg0: i32, %arg1: memref<1000x128xf32, #tpu.memory_space<vmem>>, %arg2: memref<1000x8xf32, #tpu.memory_space<vmem>>, %arg3: memref<128x128xf32, #tpu.memory_space<vmem>>, %arg4: memref<1x128xf32, #tpu.memory_space<vmem>>, %arg5: memref<128x8xf32, #tpu.memory_space<vmem>>, %arg6: memref<128x8xf32, #tpu.memory_space<vmem>>, %arg7: memref<1000x128xf32, #tpu.memory_space<vmem>>, %arg8: memref<1000x8xf32, #tpu.memory_space<vmem>>, %arg9: memref<1000x8xf32, #tpu.memory_space<vmem>>, %arg10: memref<1x8xf32, #tpu.memory_space<vmem>>, %arg11: memref<1x8xf32, #tpu.memory_space<vmem>>) attributes {dimension_semantics = [#tpu.dimension_semantics<arbitrary>], iteration_bounds = array<i64: 10>, scalar_prefetch = 0 : i64, scratch_operands = 0 : i64, tpu.core_type = #tpu.core_type<tc>, window_params = [{transform_indices = @transform_0, window_bounds = array<i64: 1000, 128>}, {transform_indices = @transform_1, window_bounds = array<i64: 1000, 8>}, {pipeline_mode = #tpu.pipeline_mode<synchronous>, transform_indices = @transform_2, window_bounds = array<i64: 128, 128>}, {pipeline_mode = #tpu.pipeline_mode<synchronous>, transform_indices = @transform_3, window_bounds = array<i64: 1, 128>}, {pipeline_mode = #tpu.pipeline_mode<synchronous>, transform_indices = @transform_4, window_bounds = array<i64: 128, 8>}, {pipeline_mode = #tpu.pipeline_mode<synchronous>, transform_indices = @transform_5, window_bounds = array<i64: 128, 8>}, {transform_indices = @transform_6, window_bounds = array<i64: 1000, 128>}, {transform_indices = @transform_7, window_bounds = array<i64: 1000, 8>}, {transform_indices = @transform_8, window_bounds = array<i64: 1000, 8>}, {pipeline_mode = #tpu.pipeline_mode<synchronous>, transform_indices = @transform_9, window_bounds = array<i64: 1, 8>}, {pipeline_mode = #tpu.pipeline_mode<synchronous>, transform_indices = @transform_10, window_bounds = array<i64: 1, 8>}]} {
    %get3A = arith.constant 0 : index
    %get3A_0 = arith.constant 0 : index
    %get3A_1 = vector.load %arg1[%get3A, %get3A_0] : memref<1000x128xf32, #tpu.memory_space<vmem>>, vector<1000x128xf32>
    %get3A_2 = arith.constant 0 : index
    %get3A_3 = arith.constant 0 : index
    %get3A_4 = vector.load %arg3[%get3A_2, %get3A_3] : memref<128x128xf32, #tpu.memory_space<vmem>>, vector<128x128xf32>
    %dot_general3A = arith.constant dense<0.000000e+00> : vector<1000x128xf32>
    %dot_general3A_5 = tpu.matmul %get3A_1, %get3A_4, %dot_general3A {dimension_numbers = #tpu.dot_dimension_numbers<[1], [0], [0], [1], [0, 0, 1, 1], [], []>, transpose_lhs_hint = false} : vector<1000x128xf32>, vector<128x128xf32>, vector<1000x128xf32> -> vector<1000x128xf32>
    %get3A_6 = arith.constant 0 : index
    %get3A_7 = arith.constant 0 : index
    %get3A_8 = vector.load %arg4[%get3A_6, %get3A_7] : memref<1x128xf32, #tpu.memory_space<vmem>>, vector<1x128xf32>
    %add3A = vector.broadcast %get3A_8 : vector<1x128xf32> to vector<1000x128xf32>
    %add3A_9 = arith.addf %dot_general3A_5, %add3A : vector<1000x128xf32>
    %max3A = arith.constant 0.000000e+00 : f32
    %max3A_10 = vector.broadcast %max3A : f32 to vector<1000x128xf32>
    %max3A_11 = arith.maximumf %add3A_9, %max3A_10 : vector<1000x128xf32>
    %swap3A = arith.constant 0 : index
    %swap3A_12 = arith.constant 0 : index
    %swap3A_13 = vector.load %arg7[%swap3A, %swap3A_12] : memref<1000x128xf32, #tpu.memory_space<vmem>>, vector<1000x128xf32>
    tpu.vector_store %arg7[%swap3A, %swap3A_12], %max3A_11 {strides = array<i32>} : memref<1000x128xf32, #tpu.memory_space<vmem>>, vector<1000x128xf32>,
    %get3A_14 = arith.constant 0 : index
    %get3A_15 = arith.constant 0 : index
    %get3A_16 = vector.load %arg5[%get3A_14, %get3A_15] : memref<128x8xf32, #tpu.memory_space<vmem>>, vector<128x8xf32>
    %dot_general3A_17 = arith.constant dense<0.000000e+00> : vector<1000x8xf32>
    %dot_general3A_18 = tpu.matmul %max3A_11, %get3A_16, %dot_general3A_17 {dimension_numbers = #tpu.dot_dimension_numbers<[1], [0], [0], [1], [0, 0, 1, 1], [], []>, transpose_lhs_hint = false} : vector<1000x128xf32>, vector<128x8xf32>, vector<1000x8xf32> -> vector<1000x8xf32>
    %get3A_19 = arith.constant 0 : index
    %get3A_20 = arith.constant 0 : index
    %get3A_21 = vector.load %arg6[%get3A_19, %get3A_20] : memref<128x8xf32, #tpu.memory_space<vmem>>, vector<128x8xf32>
    %dot_general3A_22 = arith.constant dense<0.000000e+00> : vector<1000x8xf32>
    %dot_general3A_23 = tpu.matmul %max3A_11, %get3A_21, %dot_general3A_22 {dimension_numbers = #tpu.dot_dimension_numbers<[1], [0], [0], [1], [0, 0, 1, 1], [], []>, transpose_lhs_hint = false} : vector<1000x128xf32>, vector<128x8xf32>, vector<1000x8xf32> -> vector<1000x8xf32>
    %max3A_24 = arith.constant 0.000000e+00 : f32
    %max3A_25 = vector.broadcast %max3A_24 : f32 to vector<1000x8xf32>
    %max3A_26 = arith.maximumf %dot_general3A_23, %max3A_25 : vector<1000x8xf32>
    %abs3A = math.absf %dot_general3A_23 : vector<1000x8xf32>
    %neg3A = arith.constant 0.000000e+00 : f32
    %neg3A_27 = vector.broadcast %neg3A : f32 to vector<1000x8xf32>
    %neg3A_28 = arith.subf %neg3A_27, %abs3A : vector<1000x8xf32>
    %exp3A = math.exp %neg3A_28 : vector<1000x8xf32>
    %log1p3A = math.log1p %exp3A : vector<1000x8xf32>
    %add3A_29 = arith.addf %max3A_26, %log1p3A : vector<1000x8xf32>
    %get3A_30 = arith.constant 0 : index
    %get3A_31 = arith.constant 0 : index
    %get3A_32 = vector.load %arg2[%get3A_30, %get3A_31] : memref<1000x8xf32, #tpu.memory_space<vmem>>, vector<1000x8xf32>
    %add3A_33 = arith.constant 0.00999999977 : f32
    %add3A_34 = vector.broadcast %add3A_33 : f32 to vector<1000x8xf32>
    %add3A_35 = arith.addf %add3A_29, %add3A_34 : vector<1000x8xf32>
    %mul3A = arith.mulf %get3A_32, %add3A_35 : vector<1000x8xf32>
    %add3A_36 = arith.addf %dot_general3A_18, %mul3A : vector<1000x8xf32>
    %swap3A_37 = arith.constant 0 : index
    %swap3A_38 = arith.constant 0 : index
    %swap3A_39 = vector.load %arg8[%swap3A_37, %swap3A_38] : memref<1000x8xf32, #tpu.memory_space<vmem>>, vector<1000x8xf32>
    tpu.vector_store %arg8[%swap3A_37, %swap3A_38], %add3A_36 {strides = array<i32>} : memref<1000x8xf32, #tpu.memory_space<vmem>>, vector<1000x8xf32>,
    %iota3A = tpu.iota {dimensions = array<i32: 1>} : vector<1000x8xi32>
    %reduce_max3A = arith.constant dense<0xFF800000> : vector<1000xf32>
    %reduce_max3A_40 = vector.multi_reduction <maximumf>, %add3A_36, %reduce_max3A [1] : vector<1000x8xf32> to vector<1000xf32>
    %broadcast_in_dim3A = vector.shape_cast %reduce_max3A_40 : vector<1000xf32> to vector<1000x1xf32>
    %eq3A = vector.broadcast %broadcast_in_dim3A : vector<1000x1xf32> to vector<1000x8xf32>
    %eq3A_41 = arith.cmpf oeq, %add3A_36, %eq3A : vector<1000x8xf32>
    %jit3A = arith.constant 8 : i32
    %broadcast_in_dim3A_42 = vector.broadcast %jit3A : i32 to vector<1000x8xi32>
    %select_n3A = arith.select %eq3A_41, %iota3A, %broadcast_in_dim3A_42 : vector<1000x8xi1>, vector<1000x8xi32>
    %reduce_min3A = arith.constant dense<2147483647> : vector<1000xi32>
    %reduce_min3A_43 = vector.multi_reduction <minsi>, %select_n3A, %reduce_min3A [1] : vector<1000x8xi32> to vector<1000xi32>
    %broadcast_in_dim3A_44 = vector.shape_cast %reduce_min3A_43 : vector<1000xi32> to vector<1000x1xi32>
    %eq3A_45 = vector.broadcast %broadcast_in_dim3A_44 : vector<1000x1xi32> to vector<1000x8xi32>
    %eq3A_46 = arith.cmpi eq, %iota3A, %eq3A_45 : vector<1000x8xi32>
    %jit3A_47 = arith.constant 0xFF800000 : f32
    %broadcast_in_dim3A_48 = vector.broadcast %jit3A_47 : f32 to vector<1000x8xf32>
    %select_n3A_49 = arith.select %eq3A_46, %broadcast_in_dim3A_48, %add3A_36 : vector<1000x8xi1>, vector<1000x8xf32>
    %reduce_max3A_50 = arith.constant dense<0xFF800000> : vector<1000xf32>
    %reduce_max3A_51 = vector.multi_reduction <maximumf>, %select_n3A_49, %reduce_max3A_50 [1] : vector<1000x8xf32> to vector<1000xf32>
    %broadcast_in_dim3A_52 = vector.shape_cast %reduce_max3A_51 : vector<1000xf32> to vector<1000x1xf32>
    %eq3A_53 = vector.broadcast %broadcast_in_dim3A_52 : vector<1000x1xf32> to vector<1000x8xf32>
    %eq3A_54 = arith.cmpf oeq, %select_n3A_49, %eq3A_53 : vector<1000x8xf32>
    %jit3A_55 = arith.constant 8 : i32
    %broadcast_in_dim3A_56 = vector.broadcast %jit3A_55 : i32 to vector<1000x8xi32>
    %select_n3A_57 = arith.select %eq3A_54, %iota3A, %broadcast_in_dim3A_56 : vector<1000x8xi1>, vector<1000x8xi32>
    %reduce_min3A_58 = arith.constant dense<2147483647> : vector<1000xi32>
    %reduce_min3A_59 = vector.multi_reduction <minsi>, %select_n3A_57, %reduce_min3A_58 [1] : vector<1000x8xi32> to vector<1000xi32>
    %broadcast_in_dim3A_60 = vector.shape_cast %reduce_min3A_59 : vector<1000xi32> to vector<1000x1xi32>
    %sub3A = arith.subf %broadcast_in_dim3A_52, %broadcast_in_dim3A : vector<1000x1xf32>
    %exp3A_61 = math.exp %sub3A : vector<1000x1xf32>
    %add3A_62 = arith.constant 1.000000e+00 : f32
    %add3A_63 = vector.broadcast %add3A_62 : f32 to vector<1000x1xf32>
    %add3A_64 = arith.addf %add3A_63, %exp3A_61 : vector<1000x1xf32>
    %eq3A_65 = vector.broadcast %broadcast_in_dim3A_44 : vector<1000x1xi32> to vector<1000x8xi32>
    %eq3A_66 = arith.cmpi eq, %iota3A, %eq3A_65 : vector<1000x8xi32>
    %div3A = arith.constant 1.000000e+00 : f32
    %div3A_67 = vector.broadcast %div3A : f32 to vector<1000x1xf32>
    %div3A_68 = arith.divf %div3A_67, %add3A_64 : vector<1000x1xf32>
    %jit3A_69 = arith.constant 0.000000e+00 : f32
    %broadcast_in_dim3A_70 = vector.shape_cast %div3A_68 : vector<1000x1xf32> to vector<1000x1xf32>
    %broadcast_in_dim3A_71 = vector.broadcast %broadcast_in_dim3A_70 : vector<1000x1xf32> to vector<1000x8xf32>
    %broadcast_in_dim3A_72 = vector.broadcast %jit3A_69 : f32 to vector<1000x8xf32>
    %select_n3A_73 = arith.select %eq3A_66, %broadcast_in_dim3A_71, %broadcast_in_dim3A_72 : vector<1000x8xi1>, vector<1000x8xf32>
    %eq3A_74 = vector.broadcast %broadcast_in_dim3A_60 : vector<1000x1xi32> to vector<1000x8xi32>
    %eq3A_75 = arith.cmpi eq, %iota3A, %eq3A_74 : vector<1000x8xi32>
    %div3A_76 = arith.divf %exp3A_61, %add3A_64 : vector<1000x1xf32>
    %jit3A_77 = arith.constant 0.000000e+00 : f32
    %broadcast_in_dim3A_78 = vector.shape_cast %div3A_76 : vector<1000x1xf32> to vector<1000x1xf32>
    %broadcast_in_dim3A_79 = vector.broadcast %broadcast_in_dim3A_78 : vector<1000x1xf32> to vector<1000x8xf32>
    %broadcast_in_dim3A_80 = vector.broadcast %jit3A_77 : f32 to vector<1000x8xf32>
    %select_n3A_81 = arith.select %eq3A_75, %broadcast_in_dim3A_79, %broadcast_in_dim3A_80 : vector<1000x8xi1>, vector<1000x8xf32>
    %add3A_82 = arith.addf %select_n3A_73, %select_n3A_81 : vector<1000x8xf32>
    %swap3A_83 = arith.constant 0 : index
    %swap3A_84 = arith.constant 0 : index
    %swap3A_85 = vector.load %arg9[%swap3A_83, %swap3A_84] : memref<1000x8xf32, #tpu.memory_space<vmem>>, vector<1000x8xf32>
    tpu.vector_store %arg9[%swap3A_83, %swap3A_84], %add3A_82 {strides = array<i32>} : memref<1000x8xf32, #tpu.memory_space<vmem>>, vector<1000x8xf32>,
    %eq3A_86 = arith.constant 0 : i32
    %eq3A_87 = arith.cmpi eq, %arg0, %eq3A_86 : i32
    %convert_element_type3A = arith.extui %eq3A_87 : i1 to i32
    %cond3A = arith.constant 0 : i32
    %cond3A_88 = arith.cmpi ne, %convert_element_type3A, %cond3A : i32
    scf.if %cond3A_88 {
      %broadcast_in_dim3A_115 = arith.constant 0.000000e+00 : f32
      %broadcast_in_dim3A_116 = vector.broadcast %broadcast_in_dim3A_115 : f32 to vector<1x8xf32>
      %swap3A_117 = arith.constant 0 : index
      %swap3A_118 = arith.constant 0 : index
      %swap3A_119 = vector.load %arg10[%swap3A_117, %swap3A_118] : memref<1x8xf32, #tpu.memory_space<vmem>>, vector<1x8xf32>
      tpu.vector_store %arg10[%swap3A_117, %swap3A_118], %broadcast_in_dim3A_116 {strides = array<i32>} : memref<1x8xf32, #tpu.memory_space<vmem>>, vector<1x8xf32>,
      %broadcast_in_dim3A_120 = arith.constant 0.000000e+00 : f32
      %broadcast_in_dim3A_121 = vector.broadcast %broadcast_in_dim3A_120 : f32 to vector<1x8xf32>
      %swap3A_122 = arith.constant 0 : index
      %swap3A_123 = arith.constant 0 : index
      %swap3A_124 = vector.load %arg11[%swap3A_122, %swap3A_123] : memref<1x8xf32, #tpu.memory_space<vmem>>, vector<1x8xf32>
      tpu.vector_store %arg11[%swap3A_122, %swap3A_123], %broadcast_in_dim3A_121 {strides = array<i32>} : memref<1x8xf32, #tpu.memory_space<vmem>>, vector<1x8xf32>,
    } else {
    }
    %get3A_89 = arith.constant 0 : index
    %get3A_90 = arith.constant 0 : index
    %get3A_91 = vector.load %arg10[%get3A_89, %get3A_90] : memref<1x8xf32, #tpu.memory_space<vmem>>, vector<1x8xf32>
    %reduce_sum3A = arith.constant dense<0.000000e+00> : vector<8xf32>
    %reduce_sum3A_92 = vector.multi_reduction <add>, %add3A_82, %reduce_sum3A [0] : vector<1000x8xf32> to vector<8xf32>
    %broadcast_in_dim3A_93 = vector.shape_cast %reduce_sum3A_92 : vector<8xf32> to vector<1x8xf32>
    %add3A_94 = arith.addf %get3A_91, %broadcast_in_dim3A_93 : vector<1x8xf32>
    %swap3A_95 = arith.constant 0 : index
    %swap3A_96 = arith.constant 0 : index
    %swap3A_97 = vector.load %arg10[%swap3A_95, %swap3A_96] : memref<1x8xf32, #tpu.memory_space<vmem>>, vector<1x8xf32>
    tpu.vector_store %arg10[%swap3A_95, %swap3A_96], %add3A_94 {strides = array<i32>} : memref<1x8xf32, #tpu.memory_space<vmem>>, vector<1x8xf32>,
    %get3A_98 = arith.constant 0 : index
    %get3A_99 = arith.constant 0 : index
    %get3A_100 = vector.load %arg11[%get3A_98, %get3A_99] : memref<1x8xf32, #tpu.memory_space<vmem>>, vector<1x8xf32>
    %gt3A = arith.constant 0.000000e+00 : f32
    %gt3A_101 = vector.broadcast %gt3A : f32 to vector<1000x8xf32>
    %gt3A_102 = arith.cmpf ogt, %add3A_82, %gt3A_101 : vector<1000x8xf32>
    %jit3A_103 = arith.constant 1.000000e+00 : f32
    %jit3A_104 = arith.constant 0.000000e+00 : f32
    %broadcast_in_dim3A_105 = vector.broadcast %jit3A_103 : f32 to vector<1000x8xf32>
    %broadcast_in_dim3A_106 = vector.broadcast %jit3A_104 : f32 to vector<1000x8xf32>
    %select_n3A_107 = arith.select %gt3A_102, %broadcast_in_dim3A_105, %broadcast_in_dim3A_106 : vector<1000x8xi1>, vector<1000x8xf32>
    %reduce_sum3A_108 = arith.constant dense<0.000000e+00> : vector<8xf32>
    %reduce_sum3A_109 = vector.multi_reduction <add>, %select_n3A_107, %reduce_sum3A_108 [0] : vector<1000x8xf32> to vector<8xf32>
    %broadcast_in_dim3A_110 = vector.shape_cast %reduce_sum3A_109 : vector<8xf32> to vector<1x8xf32>
    %add3A_111 = arith.addf %get3A_100, %broadcast_in_dim3A_110 : vector<1x8xf32>
    %swap3A_112 = arith.constant 0 : index
    %swap3A_113 = arith.constant 0 : index
    %swap3A_114 = vector.load %arg11[%swap3A_112, %swap3A_113] : memref<1x8xf32, #tpu.memory_space<vmem>>, vector<1x8xf32>
    tpu.vector_store %arg11[%swap3A_112, %swap3A_113], %add3A_111 {strides = array<i32>} : memref<1x8xf32, #tpu.memory_space<vmem>>, vector<1x8xf32>,
    return
  }
  func.func @transform_0(%arg0: i32) -> (i32, i32) {
    %c0_i32 = arith.constant 0 : i32
    %c0_i32_0 = arith.constant 0 : i32
    return %arg0, %c0_i32 : i32, i32
  }
  func.func @transform_1(%arg0: i32) -> (i32, i32) {
    %c0_i32 = arith.constant 0 : i32
    %c0_i32_0 = arith.constant 0 : i32
    return %arg0, %c0_i32 : i32, i32
  }
  func.func @transform_2(%arg0: i32) -> (i32, i32) {
    %c0_i32 = arith.constant 0 : i32
    %c0_i32_0 = arith.constant 0 : i32
    %c0_i32_1 = arith.constant 0 : i32
    return %c0_i32, %c0_i32_0 : i32, i32
  }
  func.func @transform_3(%arg0: i32) -> (i32, i32) {
    %c0_i32 = arith.constant 0 : i32
    %c0_i32_0 = arith.constant 0 : i32
    %c0_i32_1 = arith.constant 0 : i32
    return %c0_i32, %c0_i32_0 : i32, i32
  }
  func.func @transform_4(%arg0: i32) -> (i32, i32) {
    %c0_i32 = arith.constant 0 : i32
    %c0_i32_0 = arith.constant 0 : i32
    %c0_i32_1 = arith.constant 0 : i32
    return %c0_i32, %c0_i32_0 : i32, i32
  }
  func.func @transform_5(%arg0: i32) -> (i32, i32) {
    %c0_i32 = arith.constant 0 : i32
    %c0_i32_0 = arith.constant 0 : i32
    %c0_i32_1 = arith.constant 0 : i32
    return %c0_i32, %c0_i32_0 : i32, i32
  }
  func.func @transform_6(%arg0: i32) -> (i32, i32) {
    %c0_i32 = arith.constant 0 : i32
    %c0_i32_0 = arith.constant 0 : i32
    return %arg0, %c0_i32 : i32, i32
  }
  func.func @transform_7(%arg0: i32) -> (i32, i32) {
    %c0_i32 = arith.constant 0 : i32
    %c0_i32_0 = arith.constant 0 : i32
    return %arg0, %c0_i32 : i32, i32
  }
  func.func @transform_8(%arg0: i32) -> (i32, i32) {
    %c0_i32 = arith.constant 0 : i32
    %c0_i32_0 = arith.constant 0 : i32
    return %arg0, %c0_i32 : i32, i32
  }
  func.func @transform_9(%arg0: i32) -> (i32, i32) {
    %c0_i32 = arith.constant 0 : i32
    %c0_i32_0 = arith.constant 0 : i32
    %c0_i32_1 = arith.constant 0 : i32
    return %c0_i32, %c0_i32_0 : i32, i32
  }
  func.func @transform_10(%arg0: i32) -> (i32, i32) {
    %c0_i32 = arith.constant 0 : i32
    %c0_i32_0 = arith.constant 0 : i32
    %c0_i32_1 = arith.constant 0 : i32
    return %c0_i32, %c0_i32_0 : i32, i32
  }
}

module attributes {stable_mosaic.version = 14 : i64} {
  func.func @_expert_body(%arg0: i32, %arg1: memref<2x1000x128xf32, #tpu.memory_space<vmem>>, %arg2: memref<2x1000x1xf32, #tpu.memory_space<vmem>>, %arg3: memref<1000x8xf32, #tpu.memory_space<vmem>>, %arg4: memref<8x128x128xf32, #tpu.memory_space<vmem>>, %arg5: memref<8x128xf32, #tpu.memory_space<vmem>>, %arg6: memref<128x64xf32, #tpu.memory_space<vmem>>, %arg7: memref<1x64xf32, #tpu.memory_space<vmem>>, %arg8: memref<1x8xf32, #tpu.memory_space<vmem>>, %arg9: memref<1x8xf32, #tpu.memory_space<vmem>>, %arg10: memref<1000x64xf32, #tpu.memory_space<vmem>>, %arg11: memref<1x1xf32, #tpu.memory_space<vmem>>) attributes {dimension_semantics = [#tpu.dimension_semantics<arbitrary>], iteration_bounds = array<i64: 10>, scalar_prefetch = 0 : i64, scratch_operands = 0 : i64, tpu.core_type = #tpu.core_type<tc>, window_params = [{transform_indices = @transform_0, window_bounds = array<i64: 2, 1000, 128>}, {transform_indices = @transform_1, window_bounds = array<i64: 2, 1000, 1>}, {transform_indices = @transform_2, window_bounds = array<i64: 1000, 8>}, {pipeline_mode = #tpu.pipeline_mode<synchronous>, transform_indices = @transform_3, window_bounds = array<i64: 8, 128, 128>}, {pipeline_mode = #tpu.pipeline_mode<synchronous>, transform_indices = @transform_4, window_bounds = array<i64: 8, 128>}, {pipeline_mode = #tpu.pipeline_mode<synchronous>, transform_indices = @transform_5, window_bounds = array<i64: 128, 64>}, {pipeline_mode = #tpu.pipeline_mode<synchronous>, transform_indices = @transform_6, window_bounds = array<i64: 1, 64>}, {pipeline_mode = #tpu.pipeline_mode<synchronous>, transform_indices = @transform_7, window_bounds = array<i64: 1, 8>}, {pipeline_mode = #tpu.pipeline_mode<synchronous>, transform_indices = @transform_8, window_bounds = array<i64: 1, 8>}, {transform_indices = @transform_9, window_bounds = array<i64: 1000, 64>}, {pipeline_mode = #tpu.pipeline_mode<synchronous>, transform_indices = @transform_10, window_bounds = array<i64: 1, 1>}]} {
    %get3A = arith.constant 0 : index
    %get3A_0 = arith.constant 0 : index
    %get3A_1 = arith.constant 0 : index
    %get3A_2 = vector.load %arg1[%get3A, %get3A_0, %get3A_1] : memref<2x1000x128xf32, #tpu.memory_space<vmem>>, vector<1x1000x128xf32>
    %get3A_3 = vector.shape_cast %get3A_2 : vector<1x1000x128xf32> to vector<1000x128xf32>
    %get3A_4 = arith.constant 1 : index
    %get3A_5 = arith.constant 0 : index
    %get3A_6 = arith.constant 0 : index
    %get3A_7 = vector.load %arg1[%get3A_4, %get3A_5, %get3A_6] : memref<2x1000x128xf32, #tpu.memory_space<vmem>>, vector<1x1000x128xf32>
    %get3A_8 = vector.shape_cast %get3A_7 : vector<1x1000x128xf32> to vector<1000x128xf32>
    %add3A = arith.addf %get3A_3, %get3A_8 : vector<1000x128xf32>
    %get3A_9 = arith.constant 0 : index
    %get3A_10 = arith.constant 0 : index
    %get3A_11 = arith.constant 0 : index
    %get3A_12 = vector.load %arg2[%get3A_9, %get3A_10, %get3A_11] : memref<2x1000x1xf32, #tpu.memory_space<vmem>>, vector<1x1000x1xf32>
    %get3A_13 = vector.shape_cast %get3A_12 : vector<1x1000x1xf32> to vector<1000x1xf32>
    %get3A_14 = arith.constant 1 : index
    %get3A_15 = arith.constant 0 : index
    %get3A_16 = arith.constant 0 : index
    %get3A_17 = vector.load %arg2[%get3A_14, %get3A_15, %get3A_16] : memref<2x1000x1xf32, #tpu.memory_space<vmem>>, vector<1x1000x1xf32>
    %get3A_18 = vector.shape_cast %get3A_17 : vector<1x1000x1xf32> to vector<1000x1xf32>
    %add3A_19 = arith.addf %get3A_13, %get3A_18 : vector<1000x1xf32>
    %max3A = arith.constant 1.000000e+00 : f32
    %max3A_20 = vector.broadcast %max3A : f32 to vector<1000x1xf32>
    %max3A_21 = arith.maximumf %add3A_19, %max3A_20 : vector<1000x1xf32>
    %div3A = vector.broadcast %max3A_21 : vector<1000x1xf32> to vector<1000x128xf32>
    %div3A_22 = arith.divf %add3A, %div3A : vector<1000x128xf32>
    %broadcast_in_dim3A = arith.constant 0.000000e+00 : f32
    %broadcast_in_dim3A_23 = vector.broadcast %broadcast_in_dim3A : f32 to vector<1000x128xf32>
    %get3A_24 = arith.constant 0 : index
    %get3A_25 = arith.constant 0 : index
    %get3A_26 = vector.load %arg3[%get3A_24, %get3A_25] : memref<1000x8xf32, #tpu.memory_space<vmem>>, vector<1000x8xf32>
    %get3A_27 = arith.constant 0 : index
    %get3A_28 = arith.constant 0 : index
    %get3A_29 = arith.constant 0 : index
    %get3A_30 = vector.load %arg4[%get3A_27, %get3A_28, %get3A_29] : memref<8x128x128xf32, #tpu.memory_space<vmem>>, vector<1x128x128xf32>
    %get3A_31 = vector.shape_cast %get3A_30 : vector<1x128x128xf32> to vector<128x128xf32>
    %dot_general3A = arith.constant dense<0.000000e+00> : vector<1000x128xf32>
    %dot_general3A_32 = tpu.matmul %div3A_22, %get3A_31, %dot_general3A {dimension_numbers = #tpu.dot_dimension_numbers<[1], [0], [0], [1], [0, 0, 1, 1], [], []>, transpose_lhs_hint = false} : vector<1000x128xf32>, vector<128x128xf32>, vector<1000x128xf32> -> vector<1000x128xf32>
    %get3A_33 = arith.constant 0 : index
    %get3A_34 = arith.constant 0 : index
    %get3A_35 = vector.load %arg5[%get3A_33, %get3A_34] : memref<8x128xf32, #tpu.memory_space<vmem>>, vector<8x128xf32>
    %slice3A = vector.extract_strided_slice %get3A_35 {offsets = [0, 0], sizes = [1, 128], strides = [1, 1]} : vector<8x128xf32> to vector<1x128xf32>
    %add3A_36 = vector.broadcast %slice3A : vector<1x128xf32> to vector<1000x128xf32>
    %add3A_37 = arith.addf %dot_general3A_32, %add3A_36 : vector<1000x128xf32>
    %max3A_38 = arith.constant 0.000000e+00 : f32
    %max3A_39 = vector.broadcast %max3A_38 : f32 to vector<1000x128xf32>
    %max3A_40 = arith.maximumf %add3A_37, %max3A_39 : vector<1000x128xf32>
    %slice3A_41 = vector.extract_strided_slice %get3A_26 {offsets = [0, 0], sizes = [1000, 1], strides = [1, 1]} : vector<1000x8xf32> to vector<1000x1xf32>
    %mul3A = vector.broadcast %slice3A_41 : vector<1000x1xf32> to vector<1000x128xf32>
    %mul3A_42 = arith.mulf %mul3A, %max3A_40 : vector<1000x128xf32>
    %add3A_43 = arith.addf %broadcast_in_dim3A_23, %mul3A_42 : vector<1000x128xf32>
    %get3A_44 = arith.constant 1 : index
    %get3A_45 = arith.constant 0 : index
    %get3A_46 = arith.constant 0 : index
    %get3A_47 = vector.load %arg4[%get3A_44, %get3A_45, %get3A_46] : memref<8x128x128xf32, #tpu.memory_space<vmem>>, vector<1x128x128xf32>
    %get3A_48 = vector.shape_cast %get3A_47 : vector<1x128x128xf32> to vector<128x128xf32>
    %dot_general3A_49 = arith.constant dense<0.000000e+00> : vector<1000x128xf32>
    %dot_general3A_50 = tpu.matmul %div3A_22, %get3A_48, %dot_general3A_49 {dimension_numbers = #tpu.dot_dimension_numbers<[1], [0], [0], [1], [0, 0, 1, 1], [], []>, transpose_lhs_hint = false} : vector<1000x128xf32>, vector<128x128xf32>, vector<1000x128xf32> -> vector<1000x128xf32>
    %get3A_51 = arith.constant 0 : index
    %get3A_52 = arith.constant 0 : index
    %get3A_53 = vector.load %arg5[%get3A_51, %get3A_52] : memref<8x128xf32, #tpu.memory_space<vmem>>, vector<8x128xf32>
    %slice3A_54 = vector.extract_strided_slice %get3A_53 {offsets = [1, 0], sizes = [1, 128], strides = [1, 1]} : vector<8x128xf32> to vector<1x128xf32>
    %add3A_55 = vector.broadcast %slice3A_54 : vector<1x128xf32> to vector<1000x128xf32>
    %add3A_56 = arith.addf %dot_general3A_50, %add3A_55 : vector<1000x128xf32>
    %max3A_57 = arith.constant 0.000000e+00 : f32
    %max3A_58 = vector.broadcast %max3A_57 : f32 to vector<1000x128xf32>
    %max3A_59 = arith.maximumf %add3A_56, %max3A_58 : vector<1000x128xf32>
    %slice3A_60 = vector.extract_strided_slice %get3A_26 {offsets = [0, 1], sizes = [1000, 1], strides = [1, 1]} : vector<1000x8xf32> to vector<1000x1xf32>
    %mul3A_61 = vector.broadcast %slice3A_60 : vector<1000x1xf32> to vector<1000x128xf32>
    %mul3A_62 = arith.mulf %mul3A_61, %max3A_59 : vector<1000x128xf32>
    %add3A_63 = arith.addf %add3A_43, %mul3A_62 : vector<1000x128xf32>
    %get3A_64 = arith.constant 2 : index
    %get3A_65 = arith.constant 0 : index
    %get3A_66 = arith.constant 0 : index
    %get3A_67 = vector.load %arg4[%get3A_64, %get3A_65, %get3A_66] : memref<8x128x128xf32, #tpu.memory_space<vmem>>, vector<1x128x128xf32>
    %get3A_68 = vector.shape_cast %get3A_67 : vector<1x128x128xf32> to vector<128x128xf32>
    %dot_general3A_69 = arith.constant dense<0.000000e+00> : vector<1000x128xf32>
    %dot_general3A_70 = tpu.matmul %div3A_22, %get3A_68, %dot_general3A_69 {dimension_numbers = #tpu.dot_dimension_numbers<[1], [0], [0], [1], [0, 0, 1, 1], [], []>, transpose_lhs_hint = false} : vector<1000x128xf32>, vector<128x128xf32>, vector<1000x128xf32> -> vector<1000x128xf32>
    %get3A_71 = arith.constant 0 : index
    %get3A_72 = arith.constant 0 : index
    %get3A_73 = vector.load %arg5[%get3A_71, %get3A_72] : memref<8x128xf32, #tpu.memory_space<vmem>>, vector<8x128xf32>
    %slice3A_74 = vector.extract_strided_slice %get3A_73 {offsets = [2, 0], sizes = [1, 128], strides = [1, 1]} : vector<8x128xf32> to vector<1x128xf32>
    %add3A_75 = vector.broadcast %slice3A_74 : vector<1x128xf32> to vector<1000x128xf32>
    %add3A_76 = arith.addf %dot_general3A_70, %add3A_75 : vector<1000x128xf32>
    %max3A_77 = arith.constant 0.000000e+00 : f32
    %max3A_78 = vector.broadcast %max3A_77 : f32 to vector<1000x128xf32>
    %max3A_79 = arith.maximumf %add3A_76, %max3A_78 : vector<1000x128xf32>
    %slice3A_80 = vector.extract_strided_slice %get3A_26 {offsets = [0, 2], sizes = [1000, 1], strides = [1, 1]} : vector<1000x8xf32> to vector<1000x1xf32>
    %mul3A_81 = vector.broadcast %slice3A_80 : vector<1000x1xf32> to vector<1000x128xf32>
    %mul3A_82 = arith.mulf %mul3A_81, %max3A_79 : vector<1000x128xf32>
    %add3A_83 = arith.addf %add3A_63, %mul3A_82 : vector<1000x128xf32>
    %get3A_84 = arith.constant 3 : index
    %get3A_85 = arith.constant 0 : index
    %get3A_86 = arith.constant 0 : index
    %get3A_87 = vector.load %arg4[%get3A_84, %get3A_85, %get3A_86] : memref<8x128x128xf32, #tpu.memory_space<vmem>>, vector<1x128x128xf32>
    %get3A_88 = vector.shape_cast %get3A_87 : vector<1x128x128xf32> to vector<128x128xf32>
    %dot_general3A_89 = arith.constant dense<0.000000e+00> : vector<1000x128xf32>
    %dot_general3A_90 = tpu.matmul %div3A_22, %get3A_88, %dot_general3A_89 {dimension_numbers = #tpu.dot_dimension_numbers<[1], [0], [0], [1], [0, 0, 1, 1], [], []>, transpose_lhs_hint = false} : vector<1000x128xf32>, vector<128x128xf32>, vector<1000x128xf32> -> vector<1000x128xf32>
    %get3A_91 = arith.constant 0 : index
    %get3A_92 = arith.constant 0 : index
    %get3A_93 = vector.load %arg5[%get3A_91, %get3A_92] : memref<8x128xf32, #tpu.memory_space<vmem>>, vector<8x128xf32>
    %slice3A_94 = vector.extract_strided_slice %get3A_93 {offsets = [3, 0], sizes = [1, 128], strides = [1, 1]} : vector<8x128xf32> to vector<1x128xf32>
    %add3A_95 = vector.broadcast %slice3A_94 : vector<1x128xf32> to vector<1000x128xf32>
    %add3A_96 = arith.addf %dot_general3A_90, %add3A_95 : vector<1000x128xf32>
    %max3A_97 = arith.constant 0.000000e+00 : f32
    %max3A_98 = vector.broadcast %max3A_97 : f32 to vector<1000x128xf32>
    %max3A_99 = arith.maximumf %add3A_96, %max3A_98 : vector<1000x128xf32>
    %slice3A_100 = vector.extract_strided_slice %get3A_26 {offsets = [0, 3], sizes = [1000, 1], strides = [1, 1]} : vector<1000x8xf32> to vector<1000x1xf32>
    %mul3A_101 = vector.broadcast %slice3A_100 : vector<1000x1xf32> to vector<1000x128xf32>
    %mul3A_102 = arith.mulf %mul3A_101, %max3A_99 : vector<1000x128xf32>
    %add3A_103 = arith.addf %add3A_83, %mul3A_102 : vector<1000x128xf32>
    %get3A_104 = arith.constant 4 : index
    %get3A_105 = arith.constant 0 : index
    %get3A_106 = arith.constant 0 : index
    %get3A_107 = vector.load %arg4[%get3A_104, %get3A_105, %get3A_106] : memref<8x128x128xf32, #tpu.memory_space<vmem>>, vector<1x128x128xf32>
    %get3A_108 = vector.shape_cast %get3A_107 : vector<1x128x128xf32> to vector<128x128xf32>
    %dot_general3A_109 = arith.constant dense<0.000000e+00> : vector<1000x128xf32>
    %dot_general3A_110 = tpu.matmul %div3A_22, %get3A_108, %dot_general3A_109 {dimension_numbers = #tpu.dot_dimension_numbers<[1], [0], [0], [1], [0, 0, 1, 1], [], []>, transpose_lhs_hint = false} : vector<1000x128xf32>, vector<128x128xf32>, vector<1000x128xf32> -> vector<1000x128xf32>
    %get3A_111 = arith.constant 0 : index
    %get3A_112 = arith.constant 0 : index
    %get3A_113 = vector.load %arg5[%get3A_111, %get3A_112] : memref<8x128xf32, #tpu.memory_space<vmem>>, vector<8x128xf32>
    %slice3A_114 = vector.extract_strided_slice %get3A_113 {offsets = [4, 0], sizes = [1, 128], strides = [1, 1]} : vector<8x128xf32> to vector<1x128xf32>
    %add3A_115 = vector.broadcast %slice3A_114 : vector<1x128xf32> to vector<1000x128xf32>
    %add3A_116 = arith.addf %dot_general3A_110, %add3A_115 : vector<1000x128xf32>
    %max3A_117 = arith.constant 0.000000e+00 : f32
    %max3A_118 = vector.broadcast %max3A_117 : f32 to vector<1000x128xf32>
    %max3A_119 = arith.maximumf %add3A_116, %max3A_118 : vector<1000x128xf32>
    %slice3A_120 = vector.extract_strided_slice %get3A_26 {offsets = [0, 4], sizes = [1000, 1], strides = [1, 1]} : vector<1000x8xf32> to vector<1000x1xf32>
    %mul3A_121 = vector.broadcast %slice3A_120 : vector<1000x1xf32> to vector<1000x128xf32>
    %mul3A_122 = arith.mulf %mul3A_121, %max3A_119 : vector<1000x128xf32>
    %add3A_123 = arith.addf %add3A_103, %mul3A_122 : vector<1000x128xf32>
    %get3A_124 = arith.constant 5 : index
    %get3A_125 = arith.constant 0 : index
    %get3A_126 = arith.constant 0 : index
    %get3A_127 = vector.load %arg4[%get3A_124, %get3A_125, %get3A_126] : memref<8x128x128xf32, #tpu.memory_space<vmem>>, vector<1x128x128xf32>
    %get3A_128 = vector.shape_cast %get3A_127 : vector<1x128x128xf32> to vector<128x128xf32>
    %dot_general3A_129 = arith.constant dense<0.000000e+00> : vector<1000x128xf32>
    %dot_general3A_130 = tpu.matmul %div3A_22, %get3A_128, %dot_general3A_129 {dimension_numbers = #tpu.dot_dimension_numbers<[1], [0], [0], [1], [0, 0, 1, 1], [], []>, transpose_lhs_hint = false} : vector<1000x128xf32>, vector<128x128xf32>, vector<1000x128xf32> -> vector<1000x128xf32>
    %get3A_131 = arith.constant 0 : index
    %get3A_132 = arith.constant 0 : index
    %get3A_133 = vector.load %arg5[%get3A_131, %get3A_132] : memref<8x128xf32, #tpu.memory_space<vmem>>, vector<8x128xf32>
    %slice3A_134 = vector.extract_strided_slice %get3A_133 {offsets = [5, 0], sizes = [1, 128], strides = [1, 1]} : vector<8x128xf32> to vector<1x128xf32>
    %add3A_135 = vector.broadcast %slice3A_134 : vector<1x128xf32> to vector<1000x128xf32>
    %add3A_136 = arith.addf %dot_general3A_130, %add3A_135 : vector<1000x128xf32>
    %max3A_137 = arith.constant 0.000000e+00 : f32
    %max3A_138 = vector.broadcast %max3A_137 : f32 to vector<1000x128xf32>
    %max3A_139 = arith.maximumf %add3A_136, %max3A_138 : vector<1000x128xf32>
    %slice3A_140 = vector.extract_strided_slice %get3A_26 {offsets = [0, 5], sizes = [1000, 1], strides = [1, 1]} : vector<1000x8xf32> to vector<1000x1xf32>
    %mul3A_141 = vector.broadcast %slice3A_140 : vector<1000x1xf32> to vector<1000x128xf32>
    %mul3A_142 = arith.mulf %mul3A_141, %max3A_139 : vector<1000x128xf32>
    %add3A_143 = arith.addf %add3A_123, %mul3A_142 : vector<1000x128xf32>
    %get3A_144 = arith.constant 6 : index
    %get3A_145 = arith.constant 0 : index
    %get3A_146 = arith.constant 0 : index
    %get3A_147 = vector.load %arg4[%get3A_144, %get3A_145, %get3A_146] : memref<8x128x128xf32, #tpu.memory_space<vmem>>, vector<1x128x128xf32>
    %get3A_148 = vector.shape_cast %get3A_147 : vector<1x128x128xf32> to vector<128x128xf32>
    %dot_general3A_149 = arith.constant dense<0.000000e+00> : vector<1000x128xf32>
    %dot_general3A_150 = tpu.matmul %div3A_22, %get3A_148, %dot_general3A_149 {dimension_numbers = #tpu.dot_dimension_numbers<[1], [0], [0], [1], [0, 0, 1, 1], [], []>, transpose_lhs_hint = false} : vector<1000x128xf32>, vector<128x128xf32>, vector<1000x128xf32> -> vector<1000x128xf32>
    %get3A_151 = arith.constant 0 : index
    %get3A_152 = arith.constant 0 : index
    %get3A_153 = vector.load %arg5[%get3A_151, %get3A_152] : memref<8x128xf32, #tpu.memory_space<vmem>>, vector<8x128xf32>
    %slice3A_154 = vector.extract_strided_slice %get3A_153 {offsets = [6, 0], sizes = [1, 128], strides = [1, 1]} : vector<8x128xf32> to vector<1x128xf32>
    %add3A_155 = vector.broadcast %slice3A_154 : vector<1x128xf32> to vector<1000x128xf32>
    %add3A_156 = arith.addf %dot_general3A_150, %add3A_155 : vector<1000x128xf32>
    %max3A_157 = arith.constant 0.000000e+00 : f32
    %max3A_158 = vector.broadcast %max3A_157 : f32 to vector<1000x128xf32>
    %max3A_159 = arith.maximumf %add3A_156, %max3A_158 : vector<1000x128xf32>
    %slice3A_160 = vector.extract_strided_slice %get3A_26 {offsets = [0, 6], sizes = [1000, 1], strides = [1, 1]} : vector<1000x8xf32> to vector<1000x1xf32>
    %mul3A_161 = vector.broadcast %slice3A_160 : vector<1000x1xf32> to vector<1000x128xf32>
    %mul3A_162 = arith.mulf %mul3A_161, %max3A_159 : vector<1000x128xf32>
    %add3A_163 = arith.addf %add3A_143, %mul3A_162 : vector<1000x128xf32>
    %get3A_164 = arith.constant 7 : index
    %get3A_165 = arith.constant 0 : index
    %get3A_166 = arith.constant 0 : index
    %get3A_167 = vector.load %arg4[%get3A_164, %get3A_165, %get3A_166] : memref<8x128x128xf32, #tpu.memory_space<vmem>>, vector<1x128x128xf32>
    %get3A_168 = vector.shape_cast %get3A_167 : vector<1x128x128xf32> to vector<128x128xf32>
    %dot_general3A_169 = arith.constant dense<0.000000e+00> : vector<1000x128xf32>
    %dot_general3A_170 = tpu.matmul %div3A_22, %get3A_168, %dot_general3A_169 {dimension_numbers = #tpu.dot_dimension_numbers<[1], [0], [0], [1], [0, 0, 1, 1], [], []>, transpose_lhs_hint = false} : vector<1000x128xf32>, vector<128x128xf32>, vector<1000x128xf32> -> vector<1000x128xf32>
    %get3A_171 = arith.constant 0 : index
    %get3A_172 = arith.constant 0 : index
    %get3A_173 = vector.load %arg5[%get3A_171, %get3A_172] : memref<8x128xf32, #tpu.memory_space<vmem>>, vector<8x128xf32>
    %slice3A_174 = vector.extract_strided_slice %get3A_173 {offsets = [7, 0], sizes = [1, 128], strides = [1, 1]} : vector<8x128xf32> to vector<1x128xf32>
    %add3A_175 = vector.broadcast %slice3A_174 : vector<1x128xf32> to vector<1000x128xf32>
    %add3A_176 = arith.addf %dot_general3A_170, %add3A_175 : vector<1000x128xf32>
    %max3A_177 = arith.constant 0.000000e+00 : f32
    %max3A_178 = vector.broadcast %max3A_177 : f32 to vector<1000x128xf32>
    %max3A_179 = arith.maximumf %add3A_176, %max3A_178 : vector<1000x128xf32>
    %slice3A_180 = vector.extract_strided_slice %get3A_26 {offsets = [0, 7], sizes = [1000, 1], strides = [1, 1]} : vector<1000x8xf32> to vector<1000x1xf32>
    %mul3A_181 = vector.broadcast %slice3A_180 : vector<1000x1xf32> to vector<1000x128xf32>
    %mul3A_182 = arith.mulf %mul3A_181, %max3A_179 : vector<1000x128xf32>
    %add3A_183 = arith.addf %add3A_163, %mul3A_182 : vector<1000x128xf32>
    %get3A_184 = arith.constant 0 : index
    %get3A_185 = arith.constant 0 : index
    %get3A_186 = vector.load %arg6[%get3A_184, %get3A_185] : memref<128x64xf32, #tpu.memory_space<vmem>>, vector<128x64xf32>
    %dot_general3A_187 = arith.constant dense<0.000000e+00> : vector<1000x64xf32>
    %dot_general3A_188 = tpu.matmul %add3A_183, %get3A_186, %dot_general3A_187 {dimension_numbers = #tpu.dot_dimension_numbers<[1], [0], [0], [1], [0, 0, 1, 1], [], []>, transpose_lhs_hint = false} : vector<1000x128xf32>, vector<128x64xf32>, vector<1000x64xf32> -> vector<1000x64xf32>
    %get3A_189 = arith.constant 0 : index
    %get3A_190 = arith.constant 0 : index
    %get3A_191 = vector.load %arg7[%get3A_189, %get3A_190] : memref<1x64xf32, #tpu.memory_space<vmem>>, vector<1x64xf32>
    %add3A_192 = vector.broadcast %get3A_191 : vector<1x64xf32> to vector<1000x64xf32>
    %add3A_193 = arith.addf %dot_general3A_188, %add3A_192 : vector<1000x64xf32>
    %swap3A = arith.constant 0 : index
    %swap3A_194 = arith.constant 0 : index
    %swap3A_195 = vector.load %arg10[%swap3A, %swap3A_194] : memref<1000x64xf32, #tpu.memory_space<vmem>>, vector<1000x64xf32>
    tpu.vector_store %arg10[%swap3A, %swap3A_194], %add3A_193 {strides = array<i32>} : memref<1000x64xf32, #tpu.memory_space<vmem>>, vector<1000x64xf32>,
    %eq3A = arith.constant 0 : i32
    %eq3A_196 = arith.cmpi eq, %arg0, %eq3A : i32
    %convert_element_type3A = arith.extui %eq3A_196 : i1 to i32
    %cond3A = arith.constant 0 : i32
    %cond3A_197 = arith.cmpi ne, %convert_element_type3A, %cond3A : i32
    scf.if %cond3A_197 {
      %get3A_198 = arith.constant 0 : index
      %get3A_199 = arith.constant 0 : index
      %get3A_200 = vector.load %arg8[%get3A_198, %get3A_199] : memref<1x8xf32, #tpu.memory_space<vmem>>, vector<1x8xf32>
      %reduce_sum3A = vector.shape_cast %get3A_200 : vector<1x8xf32> to vector<1x1x8xf32>
      %reduce_sum3A_201 = arith.constant dense<0.000000e+00> : vector<1xf32>
      %reduce_sum3A_202 = vector.multi_reduction <add>, %reduce_sum3A, %reduce_sum3A_201 [1, 2] : vector<1x1x8xf32> to vector<1xf32>
      %reduce_sum3A_203 = vector.shape_cast %reduce_sum3A_202 : vector<1xf32> to vector<1x1x1xf32>
      %reduce_sum3A_204 = vector.extract %reduce_sum3A_203[0, 0, 0] : f32 from vector<1x1x1xf32>
      %div3A_205 = arith.constant 8.000000e+00 : f32
      %div3A_206 = arith.divf %reduce_sum3A_204, %div3A_205 : f32
      %sub3A = vector.broadcast %div3A_206 : f32 to vector<1x8xf32>
      %sub3A_207 = arith.subf %get3A_200, %sub3A : vector<1x8xf32>
      %integer_pow3A = arith.mulf %sub3A_207, %sub3A_207 : vector<1x8xf32>
      %reduce_sum3A_208 = vector.shape_cast %integer_pow3A : vector<1x8xf32> to vector<1x1x8xf32>
      %reduce_sum3A_209 = arith.constant dense<0.000000e+00> : vector<1xf32>
      %reduce_sum3A_210 = vector.multi_reduction <add>, %reduce_sum3A_208, %reduce_sum3A_209 [1, 2] : vector<1x1x8xf32> to vector<1xf32>
      %reduce_sum3A_211 = vector.shape_cast %reduce_sum3A_210 : vector<1xf32> to vector<1x1x1xf32>
      %reduce_sum3A_212 = vector.extract %reduce_sum3A_211[0, 0, 0] : f32 from vector<1x1x1xf32>
      %div3A_213 = arith.constant 7.000000e+00 : f32
      %div3A_214 = arith.divf %reduce_sum3A_212, %div3A_213 : f32
      %mul3A_215 = arith.mulf %div3A_206, %div3A_206 : f32
      %add3A_216 = arith.constant 1.000000e-10 : f32
      %add3A_217 = arith.addf %mul3A_215, %add3A_216 : f32
      %div3A_218 = arith.divf %div3A_214, %add3A_217 : f32
      %get3A_219 = arith.constant 0 : index
      %get3A_220 = arith.constant 0 : index
      %get3A_221 = vector.load %arg9[%get3A_219, %get3A_220] : memref<1x8xf32, #tpu.memory_space<vmem>>, vector<1x8xf32>
      %reduce_sum3A_222 = vector.shape_cast %get3A_221 : vector<1x8xf32> to vector<1x1x8xf32>
      %reduce_sum3A_223 = arith.constant dense<0.000000e+00> : vector<1xf32>
      %reduce_sum3A_224 = vector.multi_reduction <add>, %reduce_sum3A_222, %reduce_sum3A_223 [1, 2] : vector<1x1x8xf32> to vector<1xf32>
      %reduce_sum3A_225 = vector.shape_cast %reduce_sum3A_224 : vector<1xf32> to vector<1x1x1xf32>
      %reduce_sum3A_226 = vector.extract %reduce_sum3A_225[0, 0, 0] : f32 from vector<1x1x1xf32>
      %div3A_227 = arith.constant 8.000000e+00 : f32
      %div3A_228 = arith.divf %reduce_sum3A_226, %div3A_227 : f32
      %sub3A_229 = vector.broadcast %div3A_228 : f32 to vector<1x8xf32>
      %sub3A_230 = arith.subf %get3A_221, %sub3A_229 : vector<1x8xf32>
      %integer_pow3A_231 = arith.mulf %sub3A_230, %sub3A_230 : vector<1x8xf32>
      %reduce_sum3A_232 = vector.shape_cast %integer_pow3A_231 : vector<1x8xf32> to vector<1x1x8xf32>
      %reduce_sum3A_233 = arith.constant dense<0.000000e+00> : vector<1xf32>
      %reduce_sum3A_234 = vector.multi_reduction <add>, %reduce_sum3A_232, %reduce_sum3A_233 [1, 2] : vector<1x1x8xf32> to vector<1xf32>
      %reduce_sum3A_235 = vector.shape_cast %reduce_sum3A_234 : vector<1xf32> to vector<1x1x1xf32>
      %reduce_sum3A_236 = vector.extract %reduce_sum3A_235[0, 0, 0] : f32 from vector<1x1x1xf32>
      %div3A_237 = arith.constant 7.000000e+00 : f32
      %div3A_238 = arith.divf %reduce_sum3A_236, %div3A_237 : f32
      %mul3A_239 = arith.mulf %div3A_228, %div3A_228 : f32
      %add3A_240 = arith.constant 1.000000e-10 : f32
      %add3A_241 = arith.addf %mul3A_239, %add3A_240 : f32
      %div3A_242 = arith.divf %div3A_238, %add3A_241 : f32
      %add3A_243 = arith.addf %div3A_218, %div3A_242 : f32
      %mul3A_244 = arith.constant 0.00999999977 : f32
      %mul3A_245 = arith.mulf %mul3A_244, %add3A_243 : f32
      %div3A_246 = arith.constant 1.000000e+00 : f32
      %div3A_247 = arith.divf %mul3A_245, %div3A_246 : f32
      %broadcast_in_dim3A_248 = vector.broadcast %div3A_247 : f32 to vector<1x1xf32>
      %swap3A_249 = arith.constant 0 : index
      %swap3A_250 = arith.constant 0 : index
      %swap3A_251 = vector.load %arg11[%swap3A_249, %swap3A_250] : memref<1x1xf32, #tpu.memory_space<vmem>>, vector<1x1xf32>
      tpu.vector_store %arg11[%swap3A_249, %swap3A_250], %broadcast_in_dim3A_248 {strides = array<i32>} : memref<1x1xf32, #tpu.memory_space<vmem>>, vector<1x1xf32>,
    } else {
    }
    return
  }
  func.func @transform_0(%arg0: i32) -> (i32, i32, i32) {
    %c0_i32 = arith.constant 0 : i32
    %c0_i32_0 = arith.constant 0 : i32
    %c0_i32_1 = arith.constant 0 : i32
    return %c0_i32, %arg0, %c0_i32_0 : i32, i32, i32
  }
  func.func @transform_1(%arg0: i32) -> (i32, i32, i32) {
    %c0_i32 = arith.constant 0 : i32
    %c0_i32_0 = arith.constant 0 : i32
    %c0_i32_1 = arith.constant 0 : i32
    return %c0_i32, %arg0, %c0_i32_0 : i32, i32, i32
  }
  func.func @transform_2(%arg0: i32) -> (i32, i32) {
    %c0_i32 = arith.constant 0 : i32
    %c0_i32_0 = arith.constant 0 : i32
    return %arg0, %c0_i32 : i32, i32
  }
  func.func @transform_3(%arg0: i32) -> (i32, i32, i32) {
    %c0_i32 = arith.constant 0 : i32
    %c0_i32_0 = arith.constant 0 : i32
    %c0_i32_1 = arith.constant 0 : i32
    %c0_i32_2 = arith.constant 0 : i32
    return %c0_i32, %c0_i32_0, %c0_i32_1 : i32, i32, i32
  }
  func.func @transform_4(%arg0: i32) -> (i32, i32) {
    %c0_i32 = arith.constant 0 : i32
    %c0_i32_0 = arith.constant 0 : i32
    %c0_i32_1 = arith.constant 0 : i32
    return %c0_i32, %c0_i32_0 : i32, i32
  }
  func.func @transform_5(%arg0: i32) -> (i32, i32) {
    %c0_i32 = arith.constant 0 : i32
    %c0_i32_0 = arith.constant 0 : i32
    %c0_i32_1 = arith.constant 0 : i32
    return %c0_i32, %c0_i32_0 : i32, i32
  }
  func.func @transform_6(%arg0: i32) -> (i32, i32) {
    %c0_i32 = arith.constant 0 : i32
    %c0_i32_0 = arith.constant 0 : i32
    %c0_i32_1 = arith.constant 0 : i32
    return %c0_i32, %c0_i32_0 : i32, i32
  }
  func.func @transform_7(%arg0: i32) -> (i32, i32) {
    %c0_i32 = arith.constant 0 : i32
    %c0_i32_0 = arith.constant 0 : i32
    %c0_i32_1 = arith.constant 0 : i32
    return %c0_i32, %c0_i32_0 : i32, i32
  }
  func.func @transform_8(%arg0: i32) -> (i32, i32) {
    %c0_i32 = arith.constant 0 : i32
    %c0_i32_0 = arith.constant 0 : i32
    %c0_i32_1 = arith.constant 0 : i32
    return %c0_i32, %c0_i32_0 : i32, i32
  }
  func.func @transform_9(%arg0: i32) -> (i32, i32) {
    %c0_i32 = arith.constant 0 : i32
    %c0_i32_0 = arith.constant 0 : i32
    return %arg0, %c0_i32 : i32, i32
  }
  func.func @transform_10(%arg0: i32) -> (i32, i32) {
    %c0_i32 = arith.constant 0 : i32
    %c0_i32_0 = arith.constant 0 : i32
    %c0_i32_1 = arith.constant 0 : i32
    return %c0_i32, %c0_i32_0 : i32, i32
  }
}

</mosaic_0001>

<sc_bundles>
// kernel: kernel.5.cloned.1.call-start
scs
__scs_entry_jumppad:
0x0: {  	(pc) =	sbr.rel $0x88, $3  }
0x1: {  	(tag) =	ssettag $0x0;
	lr =	simm.s32 $0x1  }
0x2: {  	[smem:$0x3F96] =	sst lr;
	_ =	strace $0xD0000000  }
0x3: {  	_ = 	snop  }
0x4: {  	_ = 	snop  }
0x5: {  	_ = 	snop  }
0x6: {  	_ = 	snop  }
0x7: {  	_ = 	snop  }
__scs_overlays_trampoline_lowered:
0x8: {  	[smem:$0x3FA5] =	sst s0  }
0x9: {  	[smem:$0x3FA6] =	sst s1  }
0xa: {  	[smem:$0x3FA7] =	sst s2  }
0xb: {  	[smem:$0x3FA8] =	sst s3  }
0xc: {  	[smem:$0x3FA9] =	sst s4  }
0xd: {  	[smem:$0x3FAA] =	sst s5  }
0xe: {  	[smem:$0x3FAB] =	sst s6  }
0xf: {  	[smem:$0x3FAC] =	sst s7  }
0x10: {  	[smem:$0x3FAD] =	sst s8  }
0x11: {  	[smem:$0x3FAE] =	sst s9;
	s0 =	simm.s32 @!p0 $0x0  }
0x12: {  	s1 =	sld [smem:$0x3F94];
	s0 =	simm.s32 @p0 $0x1  }
0x13: {  	[smem:$0x3FAF] =	sst s0;
	s0 =	simm.s32 @!p1 $0x0  }
0x14: {  	s2 =	sld [smem:$0x3F93];
	s0 =	simm.s32 @p1 $0x1  }
0x15: {  	[smem:$0x3FB0] =	sst s0;
	s0 =	simm.s32 @!p2 $0x0  }
0x16: {  	s3 =	sld [smem:$0x3FDB];
	s0 =	simm.s32 @p2 $0x1  }
0x17: {  	s4 =	simm.s32 $0x1BF5;
	[smem:$0x3FB2] =	sst s0  }
0x18: {  	s0 =	sld [smem:$0x3F95];
	_ =	swait.ge [sflag:s4], $0x0  }
0x19: {  	s7 =	sld [smem:$0x3F96]  }
0x1a: {  	s8 =	sadd.s32 $0xFFFFE003, lr  }
0x1b: {  	s9 =	sadd.s32 $0xFFFFFEF7, lr;
	s5 =	simm.s32 $0xFFFFFFFF;
	p2 =	slt.u32 s8, $0xFFFFF086  }
0x1c: {  	p1 =	slt.u32 s9, $0xF7A;
	s5 =	simm.s32 @!p2 $0x0  }
0x1d: {  	s5 =	simm.s32 @p1 $0x1;
	p0 =	seq.s32 s7, s2  }
0x1e: {  	s7 =	smul.u32 @!p0 $0xF7A, s2;
	p2 =	seq.s32 @!p0 s5, $0x0  }
0x1f: {  	s9 =	smul.u32 $0xF7A, s1;
	s8 =	simm.s32 @!p0 $0x1BF5;
	p2 =	por !p2, p0  }
0x20: {  	[sflag:s8] =	ssyncset.s32 @!p0 $0xFFFFF086;
	s6 =	sadd.s32 @!p0 s3, s7;
	s7 =	simm.s32 @!p0 $0x108  }
0x21: {  	s3 =	sadd.s32 s3, s9;
	s6 =	sadd.s32 @!p0 $0x88, s6;
	s7 =	simm.s32 @p2 $0x1082  }
0x22: {  	[simem:s7], [sflag:s8] =	dma.local @!p0 [hbm:s6], $0xF7A  }
0x23: {  	s9 =	sor.u32 $0xD0000000, s2;
	s6 =	simm.s32 $0x108;
	_ =	swait.ge @!p0 [sflag:s8], $0x0  }
0x24: {  	s3 =	sadd.s32 $0x88, s3;
	s6 =	simm.s32 @!p1 $0x1082;
	[sflag:s4] =	ssyncset.s32 $0xFFFFF086  }
0x25: {  	[simem:s6], [sflag:s4] =	dma.local [hbm:s3], $0xF7A  }
0x26: {  	[smem:$0x3F96] =	sst s1;
	(tag) =	ssettag s2;
	_ =	strace s9  }
0x27: {  	s1 =	sld [smem:$0x3FA6]  }
0x28: {  	s2 =	sld [smem:$0x3FA7]  }
0x29: {  	s4 =	sld [smem:$0x3FA9]  }
0x2a: {  	p0 =	seq.s32 s5, $0x0;
	s5 =	sld [smem:$0x3FAA]  }
0x2b: {  	s6 =	sld [smem:$0x3FAB]  }
0x2c: {  	s7 =	sld [smem:$0x3FAC]  }
0x2d: {  	s3 =	simm.s32 $0x108;
	s8 =	sld [smem:$0x3FAD]  }
0x2e: {  	s3 =	simm.s32 @!p0 $0x1082;
	s9 =	sld [smem:$0x3FAE]  }
0x2f: {  	lr =	sadd.s32 s0, s3;
	s0 =	sld [smem:$0x3FA5]  }
0x30: {  	s3 =	sld [smem:$0x3FA8]  }
0x31: {  	[smem:$0x3FB1] =	sst s10  }
0x32: {  	s10 =	sld [smem:$0x3FAF];
	_ =	sdelay $0x3  }
0x33: {  	p0 =	seq.s32 s10, $0x1;
	s10 =	sld [smem:$0x3FB1];
	_ =	sdelay $0x3  }
0x34: {  	[smem:$0x3FB1] =	sst s10  }
0x35: {  	s10 =	sld [smem:$0x3FB0];
	_ =	sdelay $0x3  }
0x36: {  	p1 =	seq.s32 s10, $0x1;
	s10 =	sld [smem:$0x3FB1];
	_ =	sdelay $0x3  }
0x37: {  	[smem:$0x3FB1] =	sst s10  }
0x38: {  	s10 =	sld [smem:$0x3FB2]  }
0x39: {  	_ = 	snop;
	(pc) =	sbr.ind lr, $3  }
0x3a: {  	_ = 	snop  }
0x3b: {  	_ = 	snop  }
0x3c: {  	p2 =	seq.s32 s10, $0x1;
	s10 =	sld [smem:$0x3FB1]  }
0x3d: {  	_ =	shalt  }
0x3e: {  	_ =	shalt  }
0x3f: {  	_ =	shalt  }
0x40: {  	_ =	shalt  }
0x41: {  	_ =	shalt  }
0x42: {  	_ =	shalt  }
0x43: {  	_ =	shalt  }
0x44: {  	_ =	shalt  }
0x45: {  	_ =	shalt  }
0x46: {  	_ =	shalt  }
0x47: {  	_ =	shalt  }
0x48: {  	_ =	shalt  }
0x49: {  	_ =	shalt  }
0x4a: {  	_ =	shalt  }
0x4b: {  	_ =	shalt  }
0x4c: {  	_ =	shalt  }
0x4d: {  	_ =	shalt  }
0x4e: {  	_ =	shalt  }
0x4f: {  	_ =	shalt  }
0x50: {  	_ =	shalt  }
0x51: {  	_ =	shalt  }
0x52: {  	_ =	shalt  }
0x53: {  	_ =	shalt  }
0x54: {  	_ =	shalt  }
0x55: {  	_ =	shalt  }
0x56: {  	_ =	shalt  }
0x57: {  	_ =	shalt  }
0x58: {  	_ =	shalt  }
0x59: {  	_ =	shalt  }
0x5a: {  	_ =	shalt  }
0x5b: {  	_ =	shalt  }
0x5c: {  	_ =	shalt  }
0x5d: {  	_ =	shalt  }
0x5e: {  	_ =	shalt  }
0x5f: {  	_ =	shalt  }
0x60: {  	_ =	shalt  }
0x61: {  	_ =	shalt  }
0x62: {  	_ =	shalt  }
0x63: {  	_ =	shalt  }
0x64: {  	_ =	shalt  }
0x65: {  	_ =	shalt  }
0x66: {  	_ =	shalt  }
0x67: {  	_ =	shalt  }
0x68: {  	_ =	shalt  }
0x69: {  	_ =	shalt  }
0x6a: {  	_ =	shalt  }
0x6b: {  	_ =	shalt  }
0x6c: {  	_ =	shalt  }
0x6d: {  	_ =	shalt  }
0x6e: {  	_ =	shalt  }
0x6f: {  	_ =	shalt  }
0x70: {  	_ =	shalt  }
0x71: {  	_ =	shalt  }
0x72: {  	_ =	shalt  }
0x73: {  	_ =	shalt  }
0x74: {  	_ =	shalt  }
0x75: {  	_ =	shalt  }
0x76: {  	_ =	shalt  }
0x77: {  	_ =	shalt  }
0x78: {  	_ =	shalt  }
0x79: {  	_ =	shalt  }
0x7a: {  	_ =	shalt  }
0x7b: {  	_ =	shalt  }
0x7c: {  	_ =	shalt  }
0x7d: {  	_ =	shalt  }
0x7e: {  	_ =	shalt  }
0x7f: {  	_ =	shalt  }
0x80: {  	_ =	shalt  }
0x81: {  	_ =	shalt  }
0x82: {  	_ =	shalt  }
0x83: {  	_ =	shalt  }
0x84: {  	_ =	shalt  }
0x85: {  	_ =	shalt  }
0x86: {  	_ =	shalt  }
0x87: {  	_ =	shalt  }
.Lfunc_end0:
.L_simem_size_0:
called_computation_lowered:
.L_overlay_start_0:
0x88: {  	s2 =	sld [smem:$0x3FD9]  }
0x89: {  	s3 =	sld [smem:$0x3FFE];
	_ =	sdelay $0x1  }
0x8a: {  	s1 =	srdreg.scid  }
0x8b: {  	s0 =	sand.u32 $0x1, s1  }
0x8c: {  	s14 =	sshll.u32 s0, $0xA;
	s2 =	sadd.s32 s3, s2  }
0x8d: {  	s2 =	sadd.s32 s2, s14  }
0x8e: {  	[smem:$0x3FBD] =	sst s2  }
0x8f: {  	_ = 	snop  }
0x90: {  	s2 =	sld [smem:$0x3FD0];
	_ =	sdelay $0x2  }
0x91: {  	s15 =	simm.s32 $0xA;
	s4 =	simm.s32 $0x10  }
0x92: {  	[smem:s4], [sflag:s15] =	dma.local [hbm:s2], $0x1  }
0x93: {  	_ =	swait.eq [sflag:s15], $0x1  }
0x94: {  	[sflag:s15] =	ssyncset.done $0x0  }
0x95: {  	[sflag:s15] =	ssyncadd.s32 $0xFFFFFFFF  }
0x96: {  	s16 =	sld [smem:$0x10];
	(tm) =	ssettm $0x1  }
0x97: {  	s17 =	sld [smem:$0x3FFB];
	_ =	sdelay $0x3  }
0x98: {  	_ =	strace s17  }
0x99: {  	s3 =	sld [smem:$0x3FFC];
	_ =	sdelay $0x3  }
0x9a: {  	_ =	strace s3  }
0x9b: {  	s3 =	sld [smem:$0x3FFD];
	_ =	sdelay $0x3  }
0x9c: {  	_ =	strace s3  }
0x9d: {  	_ =	strace $0x8FFFFFFF  }
0x9e: {  	s18 =	sld [smem:$0x3FDB];
	_ =	sdelay $0x1  }
0x9f: {  	s19 =	simm.s32 $_scs_section_size  }
0xa0: {  	s5 =	simm.s32 $_size__tile_overlayer_lowered;
	s6 =	simm.s32 $_tile_overlayer_lowered  }
0xa1: {  	s22 =	simm.s32 $0x1BFF;
	s21 =	sshll.u32 s6, $0x1;
	s3 =	sadd.s32 s19, s18  }
0xa2: {  	s7 =	simm.s32 $0x0;
	s20 =	sshll.u32 s5, $0x1;
	s5 =	sadd.s32 s21, s3  }
0xa3: {  	[timem:s7], [sflag:s22] =	dma.local [hbm:s5], s20  }
0xa4: {  	_ =	swait.ge [sflag:s22], s20  }
0xa5: {  	s4 =	ssub.s32 $0x0, s20;
	[sflag:s22] =	ssyncset.done $0x0  }
0xa6: {  	[sflag:s22] =	ssyncadd.s32 s4;
	_ =	sdelay $0x1  }
0xa7: {  	s23 =	simm.s32 $0x1B8B  }
0xa8: {  	_ =	swait.ge [sflag:s23], $0x1  }
0xa9: {  	[sflag:s23] =	ssyncset.done $0x0  }
0xaa: {  	s25 =	simm.s32 $0x1B8E;
	s24 =	sld [smem:$0x3FFE];
	[sflag:s23] =	ssyncadd.s32 $0xFFFFFFFF  }
0xab: {  	s26 =	simm.s32 $execute0_lowered;
	[smem:$0x3FD2] =	sst s25  }
0xac: {  	s5 =	sshll.u32 s26, $0x1;
	_ =	strace $0x80000046;
	[dreg:$0x1] =	wrdreg $0xFFFFFFFF  }
0xad: {  	s28 =	simm.s32 $_size_execute0_lowered;
	s3 =	sadd.s32 s3, s5;
	[dreg:$0x0] =	wrdreg $0x0  }
0xae: {  	s5 =	sshll.u32 s28, $0x1;
	[dreg:$0x2] =	wrdreg s3  }
0xaf: {  	[dreg:$0x3] =	wrdreg s5  }
0xb0: {  	[dreg:$0x4] =	wrdreg $0xC0  }
0xb1: {  	_ =	task [dreg:s7], $0x5FFFF  }
0xb2: {  	[dreg:$0x1] =	wrdreg $0xFFFFFFFF  }
0xb3: {  	[dreg:$0x0] =	wrdreg $0x60  }
0xb4: {  	[dreg:$0x2] =	wrdreg s16  }
0xb5: {  	[dreg:$0x3] =	wrdreg s24  }
0xb6: {  	[dreg:$0x4] =	wrdreg $0x93000  }
0xb7: {  	[dreg:$0x5] =	wrdreg $0x1D3000  }
0xb8: {  	[dreg:$0x6] =	wrdreg $0x9  }
0xb9: {  	_ =	task.clear_ibuf [dreg:s7], $0x7FFFF;
	_ =	strace $0x90000046  }
0xba: {  	s29 =	simm.s32 $0x9;
	_ =	strace $0x80000048  }
0xbb: {  	_ =	swait.ge [sflag:s29], $0x1  }
0xbc: {  	[sflag:s29] =	ssyncadd.s32 $0xFFFFFFFF  }
0xbd: {  	_ =	strace $0x90000048  }
0xbe: {  	_ =	sfence  }
0xbf: {  	s30 =	sld [smem:$0x0];
	_ =	sdelay $0x2  }
0xc0: {  	s31 =	sshll.u32 s1, $0xD;
	s1 =	sshrl.u32 s1, $0x2  }
0xc1: {  	s3 =	sand.u32 $0x4000, s31;
	s1 =	sadd.s32 s1, s30  }
0xc2: {  	s0 =	sor.u32 s3, s0;
	s1 =	sshll.u32 s1, $0x11  }
0xc3: {  	s0 =	sor.u32 s1, s0  }
0xc4: {  	s0 =	sadd.s32 $0x8F2B, s0  }
0xc5: {  	[sflag:s0] =	ssyncadd.remote.s32 $0x1  }
0xc6: {  	_ =	sfence.sel $0xFFFF  }
0xc7: {  	[dreg:$0x0] =	wrdreg $0xFFFFFFFF;
	(pc) =	sbr.abs _section_cstart, $3  }
0xc8: {  	[dreg:$0x1] =	wrdreg $0xFFFFFFFF  }
0xc9: {  	_ =	task.clear_ibuf [dreg:s7], $0x2FFFF;
	_ =	strace $0x9FFFFFFF  }
0xca: {  	(tm) =	ssettm $0x7FFFFFFF  }
0xcb: {  	_ =	shalt  }
tec
execute0_lowered:
.L_overlay_start_1:
0x0: {  	(tag) =	ssettag $0x1  }
0x1: {  	s12 =	rddreg [dreg:$0x0]  }
0x2: {  	s7 =	rddreg [dreg:$0x1]  }
0x3: {  	s2 =	rddreg [dreg:$0x2]  }
0x4: {  	s0 =	srdreg.scid;
	s3 =	rddreg [dreg:$0x3];
	s4 =	simm.s32 $0x0  }
0x5: {  	s18 =	simm.s32 $0x2;
	s19 =	simm.s32 $0x9080;
	s20 =	simm.s32 $0x2800  }
0x6: {  	s21 =	simm.s32 $0x80;
	s22 =	simm.s32 $0x1;
	s6 =	sand.u32 $0x1, s0  }
0x7: {  	s23 =	simm.s32 $0x9000;
	s0 =	stileid.u32;
	s8 =	smul.u32 $0x140000, s6  }
0x8: {  	s24 =	simm.s32 $0x4F00;
	s25 =	simm.s32 $0x20;
	s9 =	smul.u32 $0x14000, s0  }
0x9: {  	s26 =	simm.s32 $0x10;
	[smem:$0x7FF] =	sst s4;
	s10 =	smul.u32 $0x500, s0  }
0xa: {  	s1 =	sshll.u32 s6, $0x4;
	s28 =	sshll.u32 s6, $0x7;
	s29 =	smul.u32 $0x50000, s0  }
0xb: {  	s6 =	ssub.s32 $0x2, s6;
	s11 =	smul.u32 $0xA00, s0;
	s1 =	sor.u32 s0, s1  }
0xc: {  	s5 =	sadd.s32 $0xBE00, s7;
	s31 =	sshrl.u32 s6, $0x1;
	s13 =	smul.u32 $0x500, s1  }
0xd: {  	s1 =	rddreg [dreg:$0x4];
	_ =	strace $0x80000047;
	s8 =	sadd.s32 s9, s8  }
0xe: {  	s9 =	sor.u32 s28, s10;
	s10 =	sshrl.u32 s29, $0x2;
	s17 =	ssub.s32 s6, s31  }
0xf: {  	s11 =	sshrl.u32 s11, $0x2;
	s8 =	sshrl.u32 s8, $0x3;
	s30 =	sshrl.u32 s9, $0x3  }
0x10: {  	s6 =	sadd.s32 s10, s2;
	s11 =	sadd.s32 s11, s3;
	s14 =	sadd.s32 s13, s7  }
0x11: {  	s15 =	sadd.s32 s8, s7;
	s16 =	sadd.s32 s30, s7;
	s7 =	sadd.s32 $0x4000, s6  }
0x12: {  	s8 =	sadd.s32 $0x8000, s6;
	s9 =	sadd.s32 $0xC000, s6;
	s10 =	sadd.s32 $0x10000, s6  }
0x13: {  	s12 =	sadd.s32 s12, s13;
	s13 =	sadd.s32 $0x1E00, s14;
	s14 =	sadd.s32 $0x33A00, s15  }
0x14: {  	v0 =	vimm.f32 $0.0e+00;
	v1 =	vimm.f32 $1.000000000e+00;
	s15 =	sadd.s32 $0x33000, s16;
	s16 =	smax.u32 s17, $0x1;
	s17 =	simm.s32 $0x5000  }
.LBB2_1:
0x15: {  	s28 =	simm.s32 $0x0;
	s29 =	simm.s32 $0x200  }
.LBB2_2:
0x16: {  	p0 =	sne.s32 s29, $0xFE00;
	[tilespmem:s28+$0x5070] =	vst v0  }
0x17: {  	[tilespmem:s28+$0x5000] =	vst v0  }
0x18: {  	[tilespmem:s28+$0x5010] =	vst v0  }
.Ltmp0:
0x19: {  	[tilespmem:s28+$0x5020] =	vst v0;
	(pc) =	sbr.rel @p0 .LBB2_2-.Ltmp0, $4  }
0x1a: {  	[tilespmem:s28+$0x5030] =	vst v0  }
0x1b: {  	[tilespmem:s28+$0x5040] =	vst v0  }
0x1c: {  	[tilespmem:s28+$0x5050] =	vst v0  }
0x1d: {  	[tilespmem:s28+$0x5060] =	vst v0;
	s28 =	sshra.s32 s29, $0x2;
	s29 =	sadd.s32 $0x200, s29  }
0x1e: {  	[tilespmem:s28+$0x5070] =	vst v0  }
0x1f: {  	[tilespmem:s28+$0x5000] =	vst v0  }
0x20: {  	[tilespmem:s28+$0x5010] =	vst v0  }
0x21: {  	[tilespmem:s28+$0x5020] =	vst v0  }
0x22: {  	[tilespmem:s28+$0x5030] =	vst v0  }
0x23: {  	[tilespmem:s28+$0x5040] =	vst v0  }
0x24: {  	[tilespmem:s28+$0x5050] =	vst v0  }
0x25: {  	[tilespmem:s28+$0x5060] =	vst v0  }
0x26: {  	[tilespmem:$0x9000] =	vst v1  }
0x27: {  	[tilespmem:$0x9010] =	vst v1  }
0x28: {  	[tilespmem:$0x9020] =	vst v1  }
0x29: {  	[tilespmem:$0x9030] =	vst v1  }
0x2a: {  	[tilespmem:$0x9040] =	vst v1  }
0x2b: {  	[tilespmem:$0x9050] =	vst v1  }
0x2c: {  	[tilespmem:$0x9060] =	vst v1  }
0x2d: {  	[tilespmem:$0x9070] =	vst v1  }
0x2e: {  	[tilespmem:$0x9080] =	vst v0  }
0x2f: {  	[tilespmem:$0x9090] =	vst v0  }
0x30: {  	[tilespmem:$0x90A0] =	vst v0  }
0x31: {  	[tilespmem:$0x90B0] =	vst v0  }
0x32: {  	[tilespmem:$0x90C0] =	vst v0  }
0x33: {  	[tilespmem:$0x90D0] =	vst v0  }
0x34: {  	[tilespmem:$0x90E0] =	vst v0  }
0x35: {  	[tilespmem:$0x90F0] =	vst v0  }
0x36: {  	[tilespmem:$0x9100] =	vst v0  }
0x37: {  	[tilespmem:$0x9110] =	vst v0  }
0x38: {  	[tilespmem:$0x9120] =	vst v0  }
0x39: {  	[tilespmem:$0x9130] =	vst v0  }
0x3a: {  	[tilespmem:$0x9140] =	vst v0  }
0x3b: {  	[tilespmem:$0x9150] =	vst v0  }
0x3c: {  	[tilespmem:$0x9160] =	vst v0  }
0x3d: {  	[tilespmem:$0x9170] =	vst v0  }
0x3e: {  	[tilespmem:$0x9180] =	vst v0  }
0x3f: {  	[tilespmem:$0x9190] =	vst v0  }
0x40: {  	[tilespmem:$0x91A0] =	vst v0  }
0x41: {  	[tilespmem:$0x91B0] =	vst v0  }
0x42: {  	[tilespmem:$0x91C0] =	vst v0  }
0x43: {  	[tilespmem:$0x91D0] =	vst v0  }
0x44: {  	[tilespmem:$0x91E0] =	vst v0  }
0x45: {  	[tilespmem:$0x91F0] =	vst v0  }
0x46: {  	[tilespmem:$0x9200] =	vst v0  }
0x47: {  	[tilespmem:$0x9210] =	vst v0  }
0x48: {  	[tilespmem:$0x9220] =	vst v0  }
0x49: {  	[tilespmem:$0x9230] =	vst v0  }
0x4a: {  	[tilespmem:$0x9240] =	vst v0  }
0x4b: {  	[tilespmem:$0x9250] =	vst v0  }
0x4c: {  	[tilespmem:$0x9260] =	vst v0  }
0x4d: {  	[tilespmem:$0x9270] =	vst v0  }
0x4e: {  	[tilespmem:$0x9280] =	vst v0  }
0x4f: {  	[tilespmem:$0x9290] =	vst v0  }
0x50: {  	[tilespmem:$0x92A0] =	vst v0  }
0x51: {  	[tilespmem:$0x92B0] =	vst v0  }
0x52: {  	[tilespmem:$0x92C0] =	vst v0  }
0x53: {  	[tilespmem:$0x92D0] =	vst v0  }
0x54: {  	[tilespmem:$0x92E0] =	vst v0  }
0x55: {  	[tilespmem:$0x92F0] =	vst v0  }
0x56: {  	[spmem:s6] =	stream.linear.scatter [tilespmem:s17], [sflag:$0x2], $0x4000, $0x38;
	[tilespmem:$0x1D580] =	vst v63  }
0x57: {  	_ =	swait.ge [sflag:s18], $0x4000  }
0x58: {  	[sflag:s18] =	ssyncset.done $0x0  }
0x59: {  	[sflag:s18] =	ssyncadd.s32 $0xFFFFC000  }
0x5a: {  	[spmem:s7] =	stream.linear.scatter [tilespmem:s17], [sflag:$0x2], $0x4000, $0x38;
	[tilespmem:$0x1D580] =	vst v63  }
0x5b: {  	_ =	swait.ge [sflag:s18], $0x4000  }
0x5c: {  	[sflag:s18] =	ssyncset.done $0x0  }
0x5d: {  	[sflag:s18] =	ssyncadd.s32 $0xFFFFC000  }
0x5e: {  	[spmem:s8] =	stream.linear.scatter [tilespmem:s17], [sflag:$0x2], $0x4000, $0x38;
	[tilespmem:$0x1D580] =	vst v63  }
0x5f: {  	_ =	swait.ge [sflag:s18], $0x4000  }
0x60: {  	[sflag:s18] =	ssyncset.done $0x0  }
0x61: {  	[sflag:s18] =	ssyncadd.s32 $0xFFFFC000  }
0x62: {  	[spmem:s9] =	stream.linear.scatter [tilespmem:s17], [sflag:$0x2], $0x4000, $0x38;
	[tilespmem:$0x1D580] =	vst v63  }
0x63: {  	_ =	swait.ge [sflag:s18], $0x4000  }
0x64: {  	[sflag:s18] =	ssyncset.done $0x0  }
0x65: {  	[sflag:s18] =	ssyncadd.s32 $0xFFFFC000  }
0x66: {  	[spmem:s10] =	stream.linear.scatter [tilespmem:s17], [sflag:$0x2], $0x4000, $0x38;
	[tilespmem:$0x1D580] =	vst v63  }
0x67: {  	_ =	swait.ge [sflag:s18], $0x4000  }
0x68: {  	[sflag:s18] =	ssyncset.done $0x0  }
0x69: {  	[sflag:s18] =	ssyncadd.s32 $0xFFFFC000  }
0x6a: {  	[spmem:s11] =	stream.linear.scatter [tilespmem:s19], [sflag:$0x2], $0x280, $0x38;
	[tilespmem:$0x1D580] =	vst v63  }
0x6b: {  	_ =	swait.ge [sflag:s18], $0x280  }
0x6c: {  	[sflag:s18] =	ssyncset.done $0x0  }
0x6d: {  	[sflag:s18] =	ssyncadd.s32 $0xFFFFFD80  }
0x6e: {  	s28 =	simm.s32 $0x0;
	[bflag:$0x0] =	sbarrier.arrive $0xFFFF  }
0x6f: {  	[tilespmem:s28], [sflag:$0x2] =	stream.linear.gather [hbm4b:s12+s28], $0x2780, $0x38;
	[tilespmem:$0x1D580] =	vst v63  }
0x70: {  	_ =	swait.ge [sflag:s18], $0x2780  }
0x71: {  	[sflag:s18] =	ssyncset.done $0x0  }
0x72: {  	[sflag:s18] =	ssyncadd.s32 $0xFFFFD880  }
0x73: {  	[tilespmem:s20], [sflag:$0x2] =	stream.linear.gather [hbm4b:s13+s28], $0x2780, $0x38;
	[tilespmem:$0x1D580] =	vst v63  }
0x74: {  	_ =	swait.ge [sflag:s18], $0x2780  }
0x75: {  	[sflag:s18] =	ssyncset.done $0x0  }
0x76: {  	[sflag:s18] =	ssyncadd.s32 $0xFFFFD880  }
0x77: {  	[tilespmem:s17], [sflag:$0x1] =	stream.indirect.gather [hbm4b:s5+s21], $0x80, s28, s21, $0xb8;
	[tilespmem:$0x1D580] =	vst v63  }
0x78: {  	_ =	swait.ge [sflag:s22], $0x4000  }
0x79: {  	[sflag:s22] =	ssyncset.done $0x0  }
0x7a: {  	s28 =	simm.s32 $0x2800;
	[sflag:s22] =	ssyncadd.s32 $0xFFFFC000  }
0x7b: {  	[spmem:s2] =	stream.indirect.scatter.add.f32 [tilespmem:s17], [sflag:$0x2], $0x80, s28, s21, $0xb8;
	[tilespmem:$0x1D580] =	vst v63  }
0x7c: {  	_ =	swait.ge [sflag:s18], $0x4000  }
0x7d: {  	[sflag:s18] =	ssyncset.done $0x0  }
0x7e: {  	s29 =	simm.s32 $0x80;
	[sflag:s18] =	ssyncadd.s32 $0xFFFFC000  }
0x7f: {  	[tilespmem:s17], [sflag:$0x1] =	stream.indirect.gather [hbm4b:s5+s21], $0x80, s29, s21, $0xb8;
	[tilespmem:$0x1D580] =	vst v63  }
0x80: {  	_ = 	snop  }
0x81: {  	[spmem:s3] =	stream.indirect.scatter.add.f32 [tilespmem:s23], [sflag:$0x2], $0x1, s28, s21, $0xb8;
	[tilespmem:$0x1D580] =	vst v63  }
0x82: {  	_ =	swait.ge [sflag:s18], $0x80  }
0x83: {  	s28 =	simm.s32 $0x200;
	[sflag:s18] =	ssyncset.done $0x0  }
.LBB2_4:
0x84: {  	p0 =	sne.s32 s28, $0x9A00  }
0x85: {  	[sflag:s18] =	ssyncadd.s32 $0xFFFFFF80;
	s29 =	smov.u32 s28;
	s28 =	sadd.s32 $0x200, s28  }
0x86: {  	_ = 	snop  }
0x87: {  	_ =	swait.ge [sflag:s22], $0x4000  }
0x88: {  	s29 =	sshra.s32 s29, $0x2;
	[sflag:s22] =	ssyncset.done $0x0  }
0x89: {  	s30 =	sadd.s32 $0x2800, s29;
	[sflag:s22] =	ssyncadd.s32 $0xFFFFC000  }
0x8a: {  	[spmem:s2] =	stream.indirect.scatter.add.f32 [tilespmem:s17], [sflag:$0x2], $0x80, s30, s21, $0xb8;
	[tilespmem:$0x1D580] =	vst v63  }
0x8b: {  	_ =	swait.ge [sflag:s18], $0x4000  }
0x8c: {  	[sflag:s18] =	ssyncset.done $0x0  }
0x8d: {  	s29 =	sadd.s32 $0x80, s29;
	[sflag:s18] =	ssyncadd.s32 $0xFFFFC000  }
0x8e: {  	[tilespmem:s17], [sflag:$0x1] =	stream.indirect.gather [hbm4b:s5+s21], $0x80, s29, s21, $0xb8;
	[tilespmem:$0x1D580] =	vst v63  }
.Ltmp1:
0x8f: {  	_ = 	snop;
	(pc) =	sbr.rel @p0 .LBB2_4-.Ltmp1, $4  }
0x90: {  	_ = 	snop  }
0x91: {  	[spmem:s3] =	stream.indirect.scatter.add.f32 [tilespmem:s23], [sflag:$0x2], $0x1, s30, s21, $0xb8;
	[tilespmem:$0x1D580] =	vst v63  }
0x92: {  	_ =	swait.ge [sflag:s18], $0x80  }
0x93: {  	[sflag:s18] =	ssyncset.done $0x0  }
0x94: {  	[sflag:s18] =	ssyncadd.s32 $0xFFFFFF80  }
0x95: {  	_ =	swait.ge [sflag:s22], $0x4000  }
0x96: {  	[sflag:s22] =	ssyncset.done $0x0  }
0x97: {  	[sflag:s22] =	ssyncadd.s32 $0xFFFFC000  }
0x98: {  	[spmem:s2] =	stream.indirect.scatter.add.f32 [tilespmem:s17], [sflag:$0x2], $0x80, s24, s21, $0xb8;
	[tilespmem:$0x1D580] =	vst v63  }
0x99: {  	_ =	swait.ge [sflag:s18], $0x4000  }
0x9a: {  	[sflag:s18] =	ssyncset.done $0x0  }
0x9b: {  	[sflag:s18] =	ssyncadd.s32 $0xFFFFC000  }
0x9c: {  	[spmem:s3] =	stream.indirect.scatter.add.f32 [tilespmem:s23], [sflag:$0x2], $0x1, s24, s21, $0xb8;
	[tilespmem:$0x1D580] =	vst v63  }
0x9d: {  	_ =	swait.ge [sflag:s18], $0x80  }
0x9e: {  	[sflag:s18] =	ssyncset.done $0x0  }
0x9f: {  	s28 =	sshll.u32 s0, $0x6;
	[sflag:s18] =	ssyncadd.s32 $0xFFFFFF80  }
0xa0: {  	s29 =	sshrl.u32 s6, $0x3;
	s28 =	sor.u32 $0x1C02, s28;
	[bflag:$0x0] =	sbarrier.arrive $0xFFFF  }
0xa1: {  	[hbm:s14], [sflag:s28] =	dma.local [spmem:s29], $0x2800  }
0xa2: {  	s4 =	sadd.s32 $0x1, s4;
	_ =	swait.ge [sflag:s18], $0x2800  }
0xa3: {  	p0 =	sne.s32 s4, s16;
	[sflag:s18] =	ssyncset.done $0x0  }
.Ltmp2:
0xa4: {  	s31 =	sshrl.u32 s11, $0x3;
	[sflag:s18] =	ssyncadd.s32 $0xFFFFD800;
	(pc) =	sbr.rel @p0 .LBB2_1-.Ltmp2, $4  }
0xa5: {  	[hbm:s15@s25], [sflag:s28] =	dma.strided [spmem:s31@s26], $0x50, s22, $0x10   }
0xa6: {  	_ =	swait.ge [sflag:s18], $0x50  }
0xa7: {  	[sflag:s18] =	ssyncset.done $0x0  }
0xa8: {  	[sflag:s18] =	ssyncadd.s32 $0xFFFFFFB0  }
0xa9: {  	_ =	sfence.sel $0x180000  }
0xaa: {  	[bflag:$0x0] =	sbarrier.arrive $0xFFFF  }
0xab: {  	p0 =	sne.s32 s0, $0x0;
	_ =	strace $0x90000047  }
0xac: {  	s0 =	sadd.s32 @!p0 $0x100000, s1;
	[bflag:$0x2] =	sbarrier.arrive $0xFFFF  }
0xad: {  	[sflag:s0] =	ssyncadd.tile.s32 @!p0 $0x1;
	_ =	shalt  }
.Lfunc_end2:
_tile_overlayer_lowered:
.L_overlay_start_2:
0xae: {  	(tag) =	ssettag $0x2  }
0xaf: {  	s0 =	rddreg [dreg:$0x0];
	s2 =	stileid.u32  }
0xb0: {  	s1 =	rddreg [dreg:$0x1];
	p0 =	sne.s32 s2, $0x0  }
0xb1: {  	s3 =	rddreg [dreg:$0x2];
	[bflag:$0x3] =	sbarrier.arrive $0xFFFF;
	s2 =	simm.s32 @!p0 $0x1C02  }
0xb2: {  	[timem:s3], [sflag:s2] =	dma.local @!p0 [hbm:s0], s1  }
0xb3: {  	s0 =	simm.s32 @!p0 $0x2  }
0xb4: {  	_ =	swait.ge @!p0 [sflag:s0], s1  }
0xb5: {  	s1 =	ssub.s32 @!p0 $0x0, s1;
	[sflag:s0] =	ssyncset.done @!p0 $0x0  }
0xb6: {  	[sflag:s0] =	ssyncadd.s32 @!p0 s1  }
0xb7: {  	[bflag:$0x3] =	sbarrier.arrive $0xFFFF  }
0xb8: {  	_ =	shalt  }

</sc_bundles>
